<compile_context>
chip_gen: v7x
topology: tpu7x:2x2x1
jax: 0.10.2.dev20260603
libtpu: 0.0.44.dev20260713+nightly
codegen_flags: <defaults>
</compile_context>

<pallas_src>
import functools

import jax
import jax.numpy as jnp
from jax import lax
from jax.experimental import pallas as pl
from jax.experimental.pallas import tpu as pltpu
from jax.experimental.pallas import tpu_sc as plsc


def _proj_body(rel_ref, w_ref, t_ref):
    n = t_ref.shape[1]
    s_row = lax.dot_general(
        w_ref[...], rel_ref[...],
        (((1,), (1,)), ((), ())),
        preferred_element_type=jnp.float32,
    )
    p = jnp.concatenate([s_row, jnp.zeros((1, 128), jnp.float32)], axis=1)
    for c in range(t_ref.shape[0]):
        t_ref[c, :] = p[0, 127 - c : 127 - c + n]


def _project_table(rel_pos, w_proj, L):
    relp = jnp.pad(rel_pos, ((0, 1), (0, 0)))
    return pl.pallas_call(
        _proj_body,
        out_shape=jax.ShapeDtypeStruct((128, 2 * L), jnp.float32),
    )(relp, w_proj)


def _make_expand(L, NC, NS):
    NW = NC * NS
    n_groups = L // 8
    assert n_groups % NW == 0
    g_per_w = n_groups // NW
    n_h = n_groups // 16
    mesh = plsc.VectorSubcoreMesh(core_axis_name="c", subcore_axis_name="s")

    @functools.partial(
        pl.kernel,
        mesh=mesh,
        out_type=jax.ShapeDtypeStruct((L, L), jnp.float32),
        scratch_types=[
            pltpu.VMEM_SHARED((128, 2 * L), jnp.float32),
            pltpu.SemaphoreType.DMA,
        ],
    )
    def expand(t_hbm, out_hbm, t_sp, sem):
        wid = lax.axis_index("s") * NC + lax.axis_index("c")
        sid = lax.axis_index("s")
        trow = pl.multiple_of(8 * sid, 8)
        pltpu.sync_copy(t_hbm.at[pl.ds(trow, 8), :], t_sp.at[pl.ds(trow, 8), :])
        plsc.subcore_barrier()
        copies = []
        for gg in range(g_per_w):
            G = wid * g_per_w + gg
            h = G // 16
            l = G % 16
            row = pl.multiple_of(8 * l, 8)
            col = pl.multiple_of(128 * (n_h - 1 - h), 128)
            row0 = pl.multiple_of(8 * G, 8)
            copies.append(
                pltpu.async_copy(
                    t_sp.at[pl.ds(row, 8), pl.ds(col, L)],
                    out_hbm.at[pl.ds(row0, 8), :],
                    sem,
                )
            )
        for c in copies:
            c.wait()

    return expand


def kernel(rel_pos, W_proj, qlen, klen):
    L = (rel_pos.shape[0] + 1) // 2
    table = _project_table(rel_pos, W_proj, L)
    info = plsc.get_sparse_core_info()
    expand = _make_expand(L, info.num_cores, info.num_subcores)
    return expand(table)

# --- scband reference (transcript-rebuilt; emitter-appended) ---
"""Pipeline reference for scband-relative-positional-encoding-23321672417444 (READ-ONLY COPY).

The authoritative reference and input builder live on the scoring server;
editing this copy changes nothing except your own understanding.
"""

import jax, jax.numpy as jnp
import numpy as np

HEAD_DIM = 64
MAX_LEN = 2048


def setup_inputs(seed: int = 0) -> dict:
    key = jax.random.key(seed)
    k1, k2 = jax.random.split(key)
    rel_pos = jax.random.normal(k1, (2 * MAX_LEN - 1, HEAD_DIM), dtype=jnp.float32)
    # nn.Linear(head_dim, 1, bias=False) weight has shape [1, head_dim]
    W_proj = jax.random.normal(k2, (1, HEAD_DIM), dtype=jnp.float32) * (1.0 / np.sqrt(HEAD_DIM))
    return {"rel_pos": rel_pos, "W_proj": W_proj, "qlen": 2048, "klen": 2048}


def reference(rel_pos, W_proj, qlen, klen):
    L = (rel_pos.shape[0] + 1) // 2
    range_q = jnp.arange(L)[:, None]
    range_k = jnp.arange(L)[None, :]
    qlen_arr = jnp.asarray(qlen)
    klen_arr = jnp.asarray(klen)
    fold = ((qlen_arr - qlen_arr) + (klen_arr - klen_arr)).astype(jnp.int32)
    relative_indices = range_k - range_q + MAX_LEN - 1 + fold  # int32 [qlen, klen]
    # Embedding gather: [qlen, klen, head_dim]
    rel_embeddings = jnp.take(rel_pos, relative_indices, axis=0)
    # Linear proj to scalar bias: x @ W.T, then squeeze last dim
    bias = jnp.squeeze(rel_embeddings @ W_proj.T, axis=-1)  # [qlen, klen]
    return bias

if __name__ == "__main__":
    import jax
    _d = setup_inputs()
    print(jax.jit(kernel)(*tuple(_d.values())))

</pallas_src>

<mosaic_0001>
#map = affine_map<(d0, d1) -> (0, 0)>
module attributes {stable_mosaic.version = 14 : i64} {
  func.func @expand(%arg0: i32, %arg1: i32, %arg2: memref<128x4096xf32, #tpu.memory_space<hbm>>, %arg3: memref<2048x2048xf32, #tpu.memory_space<hbm>>, %arg4: memref<128x4096xf32, #tpu.memory_space<vmem_shared>>, %arg5: memref<!tpu.dma_semaphore, #tpu.memory_space<semaphore_mem>>) attributes {dimension_semantics = [#tpu.dimension_semantics<core_parallel>, #tpu.dimension_semantics<subcore_parallel>], iteration_bounds = array<i64: 2, 16>, scalar_prefetch = 0 : i64, scratch_operands = 2 : i64, tpu.core_type = #tpu.core_type<sc_vector_subcore>, window_params = [{transform_indices = #map}, {transform_indices = #map}]} {
    %mul3A = arith.constant 2 : i32
    %mul3A_0 = arith.muli %arg1, %mul3A : i32
    %add3A = arith.addi %mul3A_0, %arg0 : i32
    %mul3A_1 = arith.constant 8 : i32
    %mul3A_2 = arith.muli %mul3A_1, %arg1 : i32
    %multiple_of3A = tpu.assume_multiple %mul3A_2, 8 : i32
    "tpu.region"() ({
      %run_scoped3A = tpu.sem_alloc : memref<!tpu.dma_semaphore, #tpu.memory_space<semaphore_mem>>
      %dma_start3A_479 = arith.constant 0 : i32
      %dma_start3A_480 = tpu.memref_slice %arg4[%multiple_of3A, %dma_start3A_479] : memref<128x4096xf32, #tpu.memory_space<vmem_shared>> -> memref<8x4096xf32, #tpu.memory_space<vmem_shared>>
      %dma_start3A_481 = arith.constant 0 : i32
      %dma_start3A_482 = tpu.memref_slice %arg2[%multiple_of3A, %dma_start3A_481] : memref<128x4096xf32, #tpu.memory_space<hbm>> -> memref<8x4096xf32, #tpu.memory_space<hbm>>
      tpu.enqueue_dma source(%dma_start3A_482 : memref<8x4096xf32, #tpu.memory_space<hbm>>) target(%dma_start3A_480 : memref<8x4096xf32, #tpu.memory_space<vmem_shared>>) target_semaphore(%run_scoped3A : memref<!tpu.dma_semaphore, #tpu.memory_space<semaphore_mem>>)
      %dma_wait3A_483 = arith.constant 0 : i32
      %dma_wait3A_484 = tpu.memref_slice %arg4[%multiple_of3A, %dma_wait3A_483] : memref<128x4096xf32, #tpu.memory_space<vmem_shared>> -> memref<8x4096xf32, #tpu.memory_space<vmem_shared>>
      %dma_wait3A_485 = arith.constant 0 : i32
      %dma_wait3A_486 = tpu.memref_slice %arg2[%multiple_of3A, %dma_wait3A_485] : memref<128x4096xf32, #tpu.memory_space<hbm>> -> memref<8x4096xf32, #tpu.memory_space<hbm>>
      tpu.wait_dma2 semaphore(%run_scoped3A : memref<!tpu.dma_semaphore, #tpu.memory_space<semaphore_mem>>) src(%dma_wait3A_486 : memref<8x4096xf32, #tpu.memory_space<hbm>>) dst(%dma_wait3A_484 : memref<8x4096xf32, #tpu.memory_space<vmem_shared>>)
      tpu.yield
    }) : () -> ()
    %barrier3A = arith.constant 0 : index
    tpu.barrier barrier_id(%barrier3A)
    %mul3A_3 = arith.constant 8 : i32
    %mul3A_4 = arith.muli %add3A, %mul3A_3 : i32
    %add3A_5 = arith.constant 0 : i32
    %add3A_6 = arith.addi %mul3A_4, %add3A_5 : i32
    %jit3A = arith.constant 16 : i32
    %div3A = arith.divsi %add3A_6, %jit3A : i32
    %sign3A = arith.constant 0 : i32
    %sign3A_7 = arith.cmpi sgt, %add3A_6, %sign3A : i32
    %sign3A_8 = arith.extui %sign3A_7 : i1 to i32
    %sign3A_9 = arith.constant 0 : i32
    %sign3A_10 = arith.cmpi slt, %add3A_6, %sign3A_9 : i32
    %sign3A_11 = arith.extui %sign3A_10 : i1 to i32
    %sign3A_12 = arith.subi %sign3A_8, %sign3A_11 : i32
    %sign3A_13 = arith.constant 0 : i32
    %sign3A_14 = arith.cmpi sgt, %jit3A, %sign3A_13 : i32
    %sign3A_15 = arith.extui %sign3A_14 : i1 to i32
    %sign3A_16 = arith.constant 0 : i32
    %sign3A_17 = arith.cmpi slt, %jit3A, %sign3A_16 : i32
    %sign3A_18 = arith.extui %sign3A_17 : i1 to i32
    %sign3A_19 = arith.subi %sign3A_15, %sign3A_18 : i32
    %ne3A = arith.cmpi ne, %sign3A_12, %sign3A_19 : i32
    %rem3A = arith.remsi %add3A_6, %jit3A : i32
    %ne3A_20 = arith.constant 0 : i32
    %ne3A_21 = arith.cmpi ne, %rem3A, %ne3A_20 : i32
    %and3A = arith.andi %ne3A, %ne3A_21 : i1
    %sub3A = arith.constant 1 : i32
    %sub3A_22 = arith.subi %div3A, %sub3A : i32
    %select_n3A = arith.select %and3A, %sub3A_22, %div3A : i32
    %jit3A_23 = arith.constant 16 : i32
    %eq3A = arith.constant 0 : i32
    %eq3A_24 = arith.cmpi eq, %jit3A_23, %eq3A : i32
    %jit3A_25 = arith.constant 1 : i32
    %select_n3A_26 = arith.select %eq3A_24, %jit3A_25, %jit3A_23 : i32
    %rem3A_27 = arith.remsi %add3A_6, %select_n3A_26 : i32
    %ne3A_28 = arith.constant 0 : i32
    %ne3A_29 = arith.cmpi ne, %rem3A_27, %ne3A_28 : i32
    %lt3A = arith.constant 0 : i32
    %lt3A_30 = arith.cmpi slt, %rem3A_27, %lt3A : i32
    %lt3A_31 = arith.constant 0 : i32
    %lt3A_32 = arith.cmpi slt, %select_n3A_26, %lt3A_31 : i32
    %ne3A_33 = arith.xori %lt3A_30, %lt3A_32 : i1
    %and3A_34 = arith.andi %ne3A_33, %ne3A_29 : i1
    %add3A_35 = arith.addi %rem3A_27, %select_n3A_26 : i32
    %select_n3A_36 = arith.select %and3A_34, %add3A_35, %rem3A_27 : i32
    %mul3A_37 = arith.constant 8 : i32
    %mul3A_38 = arith.muli %mul3A_37, %select_n3A_36 : i32
    %multiple_of3A_39 = tpu.assume_multiple %mul3A_38, 8 : i32
    %sub3A_40 = arith.constant 15 : i32
    %sub3A_41 = arith.subi %sub3A_40, %select_n3A : i32
    %mul3A_42 = arith.constant 128 : i32
    %mul3A_43 = arith.muli %mul3A_42, %sub3A_41 : i32
    %multiple_of3A_44 = tpu.assume_multiple %mul3A_43, 128 : i32
    %mul3A_45 = arith.constant 8 : i32
    %mul3A_46 = arith.muli %mul3A_45, %add3A_6 : i32
    %multiple_of3A_47 = tpu.assume_multiple %mul3A_46, 8 : i32
    %dma_start3A = arith.constant 0 : i32
    %dma_start3A_48 = tpu.memref_slice %arg3[%multiple_of3A_47, %dma_start3A] : memref<2048x2048xf32, #tpu.memory_space<hbm>> -> memref<8x2048xf32, #tpu.memory_space<hbm>>
    %dma_start3A_49 = tpu.memref_slice %arg4[%multiple_of3A_39, %multiple_of3A_44] : memref<128x4096xf32, #tpu.memory_space<vmem_shared>> -> memref<8x2048xf32, #tpu.memory_space<vmem_shared>>
    tpu.enqueue_dma source(%dma_start3A_49 : memref<8x2048xf32, #tpu.memory_space<vmem_shared>>) target(%dma_start3A_48 : memref<8x2048xf32, #tpu.memory_space<hbm>>) target_semaphore(%arg5 : memref<!tpu.dma_semaphore, #tpu.memory_space<semaphore_mem>>)
    %mul3A_50 = arith.constant 8 : i32
    %mul3A_51 = arith.muli %add3A, %mul3A_50 : i32
    %add3A_52 = arith.constant 1 : i32
    %add3A_53 = arith.addi %mul3A_51, %add3A_52 : i32
    %jit3A_54 = arith.constant 16 : i32
    %div3A_55 = arith.divsi %add3A_53, %jit3A_54 : i32
    %sign3A_56 = arith.constant 0 : i32
    %sign3A_57 = arith.cmpi sgt, %add3A_53, %sign3A_56 : i32
    %sign3A_58 = arith.extui %sign3A_57 : i1 to i32
    %sign3A_59 = arith.constant 0 : i32
    %sign3A_60 = arith.cmpi slt, %add3A_53, %sign3A_59 : i32
    %sign3A_61 = arith.extui %sign3A_60 : i1 to i32
    %sign3A_62 = arith.subi %sign3A_58, %sign3A_61 : i32
    %sign3A_63 = arith.constant 0 : i32
    %sign3A_64 = arith.cmpi sgt, %jit3A_54, %sign3A_63 : i32
    %sign3A_65 = arith.extui %sign3A_64 : i1 to i32
    %sign3A_66 = arith.constant 0 : i32
    %sign3A_67 = arith.cmpi slt, %jit3A_54, %sign3A_66 : i32
    %sign3A_68 = arith.extui %sign3A_67 : i1 to i32
    %sign3A_69 = arith.subi %sign3A_65, %sign3A_68 : i32
    %ne3A_70 = arith.cmpi ne, %sign3A_62, %sign3A_69 : i32
    %rem3A_71 = arith.remsi %add3A_53, %jit3A_54 : i32
    %ne3A_72 = arith.constant 0 : i32
    %ne3A_73 = arith.cmpi ne, %rem3A_71, %ne3A_72 : i32
    %and3A_74 = arith.andi %ne3A_70, %ne3A_73 : i1
    %sub3A_75 = arith.constant 1 : i32
    %sub3A_76 = arith.subi %div3A_55, %sub3A_75 : i32
    %select_n3A_77 = arith.select %and3A_74, %sub3A_76, %div3A_55 : i32
    %jit3A_78 = arith.constant 16 : i32
    %eq3A_79 = arith.constant 0 : i32
    %eq3A_80 = arith.cmpi eq, %jit3A_78, %eq3A_79 : i32
    %jit3A_81 = arith.constant 1 : i32
    %select_n3A_82 = arith.select %eq3A_80, %jit3A_81, %jit3A_78 : i32
    %rem3A_83 = arith.remsi %add3A_53, %select_n3A_82 : i32
    %ne3A_84 = arith.constant 0 : i32
    %ne3A_85 = arith.cmpi ne, %rem3A_83, %ne3A_84 : i32
    %lt3A_86 = arith.constant 0 : i32
    %lt3A_87 = arith.cmpi slt, %rem3A_83, %lt3A_86 : i32
    %lt3A_88 = arith.constant 0 : i32
    %lt3A_89 = arith.cmpi slt, %select_n3A_82, %lt3A_88 : i32
    %ne3A_90 = arith.xori %lt3A_87, %lt3A_89 : i1
    %and3A_91 = arith.andi %ne3A_90, %ne3A_85 : i1
    %add3A_92 = arith.addi %rem3A_83, %select_n3A_82 : i32
    %select_n3A_93 = arith.select %and3A_91, %add3A_92, %rem3A_83 : i32
    %mul3A_94 = arith.constant 8 : i32
    %mul3A_95 = arith.muli %mul3A_94, %select_n3A_93 : i32
    %multiple_of3A_96 = tpu.assume_multiple %mul3A_95, 8 : i32
    %sub3A_97 = arith.constant 15 : i32
    %sub3A_98 = arith.subi %sub3A_97, %select_n3A_77 : i32
    %mul3A_99 = arith.constant 128 : i32
    %mul3A_100 = arith.muli %mul3A_99, %sub3A_98 : i32
    %multiple_of3A_101 = tpu.assume_multiple %mul3A_100, 128 : i32
    %mul3A_102 = arith.constant 8 : i32
    %mul3A_103 = arith.muli %mul3A_102, %add3A_53 : i32
    %multiple_of3A_104 = tpu.assume_multiple %mul3A_103, 8 : i32
    %dma_start3A_105 = arith.constant 0 : i32
    %dma_start3A_106 = tpu.memref_slice %arg3[%multiple_of3A_104, %dma_start3A_105] : memref<2048x2048xf32, #tpu.memory_space<hbm>> -> memref<8x2048xf32, #tpu.memory_space<hbm>>
    %dma_start3A_107 = tpu.memref_slice %arg4[%multiple_of3A_96, %multiple_of3A_101] : memref<128x4096xf32, #tpu.memory_space<vmem_shared>> -> memref<8x2048xf32, #tpu.memory_space<vmem_shared>>
    tpu.enqueue_dma source(%dma_start3A_107 : memref<8x2048xf32, #tpu.memory_space<vmem_shared>>) target(%dma_start3A_106 : memref<8x2048xf32, #tpu.memory_space<hbm>>) target_semaphore(%arg5 : memref<!tpu.dma_semaphore, #tpu.memory_space<semaphore_mem>>)
    %mul3A_108 = arith.constant 8 : i32
    %mul3A_109 = arith.muli %add3A, %mul3A_108 : i32
    %add3A_110 = arith.constant 2 : i32
    %add3A_111 = arith.addi %mul3A_109, %add3A_110 : i32
    %jit3A_112 = arith.constant 16 : i32
    %div3A_113 = arith.divsi %add3A_111, %jit3A_112 : i32
    %sign3A_114 = arith.constant 0 : i32
    %sign3A_115 = arith.cmpi sgt, %add3A_111, %sign3A_114 : i32
    %sign3A_116 = arith.extui %sign3A_115 : i1 to i32
    %sign3A_117 = arith.constant 0 : i32
    %sign3A_118 = arith.cmpi slt, %add3A_111, %sign3A_117 : i32
    %sign3A_119 = arith.extui %sign3A_118 : i1 to i32
    %sign3A_120 = arith.subi %sign3A_116, %sign3A_119 : i32
    %sign3A_121 = arith.constant 0 : i32
    %sign3A_122 = arith.cmpi sgt, %jit3A_112, %sign3A_121 : i32
    %sign3A_123 = arith.extui %sign3A_122 : i1 to i32
    %sign3A_124 = arith.constant 0 : i32
    %sign3A_125 = arith.cmpi slt, %jit3A_112, %sign3A_124 : i32
    %sign3A_126 = arith.extui %sign3A_125 : i1 to i32
    %sign3A_127 = arith.subi %sign3A_123, %sign3A_126 : i32
    %ne3A_128 = arith.cmpi ne, %sign3A_120, %sign3A_127 : i32
    %rem3A_129 = arith.remsi %add3A_111, %jit3A_112 : i32
    %ne3A_130 = arith.constant 0 : i32
    %ne3A_131 = arith.cmpi ne, %rem3A_129, %ne3A_130 : i32
    %and3A_132 = arith.andi %ne3A_128, %ne3A_131 : i1
    %sub3A_133 = arith.constant 1 : i32
    %sub3A_134 = arith.subi %div3A_113, %sub3A_133 : i32
    %select_n3A_135 = arith.select %and3A_132, %sub3A_134, %div3A_113 : i32
    %jit3A_136 = arith.constant 16 : i32
    %eq3A_137 = arith.constant 0 : i32
    %eq3A_138 = arith.cmpi eq, %jit3A_136, %eq3A_137 : i32
    %jit3A_139 = arith.constant 1 : i32
    %select_n3A_140 = arith.select %eq3A_138, %jit3A_139, %jit3A_136 : i32
    %rem3A_141 = arith.remsi %add3A_111, %select_n3A_140 : i32
    %ne3A_142 = arith.constant 0 : i32
    %ne3A_143 = arith.cmpi ne, %rem3A_141, %ne3A_142 : i32
    %lt3A_144 = arith.constant 0 : i32
    %lt3A_145 = arith.cmpi slt, %rem3A_141, %lt3A_144 : i32
    %lt3A_146 = arith.constant 0 : i32
    %lt3A_147 = arith.cmpi slt, %select_n3A_140, %lt3A_146 : i32
    %ne3A_148 = arith.xori %lt3A_145, %lt3A_147 : i1
    %and3A_149 = arith.andi %ne3A_148, %ne3A_143 : i1
    %add3A_150 = arith.addi %rem3A_141, %select_n3A_140 : i32
    %select_n3A_151 = arith.select %and3A_149, %add3A_150, %rem3A_141 : i32
    %mul3A_152 = arith.constant 8 : i32
    %mul3A_153 = arith.muli %mul3A_152, %select_n3A_151 : i32
    %multiple_of3A_154 = tpu.assume_multiple %mul3A_153, 8 : i32
    %sub3A_155 = arith.constant 15 : i32
    %sub3A_156 = arith.subi %sub3A_155, %select_n3A_135 : i32
    %mul3A_157 = arith.constant 128 : i32
    %mul3A_158 = arith.muli %mul3A_157, %sub3A_156 : i32
    %multiple_of3A_159 = tpu.assume_multiple %mul3A_158, 128 : i32
    %mul3A_160 = arith.constant 8 : i32
    %mul3A_161 = arith.muli %mul3A_160, %add3A_111 : i32
    %multiple_of3A_162 = tpu.assume_multiple %mul3A_161, 8 : i32
    %dma_start3A_163 = arith.constant 0 : i32
    %dma_start3A_164 = tpu.memref_slice %arg3[%multiple_of3A_162, %dma_start3A_163] : memref<2048x2048xf32, #tpu.memory_space<hbm>> -> memref<8x2048xf32, #tpu.memory_space<hbm>>
    %dma_start3A_165 = tpu.memref_slice %arg4[%multiple_of3A_154, %multiple_of3A_159] : memref<128x4096xf32, #tpu.memory_space<vmem_shared>> -> memref<8x2048xf32, #tpu.memory_space<vmem_shared>>
    tpu.enqueue_dma source(%dma_start3A_165 : memref<8x2048xf32, #tpu.memory_space<vmem_shared>>) target(%dma_start3A_164 : memref<8x2048xf32, #tpu.memory_space<hbm>>) target_semaphore(%arg5 : memref<!tpu.dma_semaphore, #tpu.memory_space<semaphore_mem>>)
    %mul3A_166 = arith.constant 8 : i32
    %mul3A_167 = arith.muli %add3A, %mul3A_166 : i32
    %add3A_168 = arith.constant 3 : i32
    %add3A_169 = arith.addi %mul3A_167, %add3A_168 : i32
    %jit3A_170 = arith.constant 16 : i32
    %div3A_171 = arith.divsi %add3A_169, %jit3A_170 : i32
    %sign3A_172 = arith.constant 0 : i32
    %sign3A_173 = arith.cmpi sgt, %add3A_169, %sign3A_172 : i32
    %sign3A_174 = arith.extui %sign3A_173 : i1 to i32
    %sign3A_175 = arith.constant 0 : i32
    %sign3A_176 = arith.cmpi slt, %add3A_169, %sign3A_175 : i32
    %sign3A_177 = arith.extui %sign3A_176 : i1 to i32
    %sign3A_178 = arith.subi %sign3A_174, %sign3A_177 : i32
    %sign3A_179 = arith.constant 0 : i32
    %sign3A_180 = arith.cmpi sgt, %jit3A_170, %sign3A_179 : i32
    %sign3A_181 = arith.extui %sign3A_180 : i1 to i32
    %sign3A_182 = arith.constant 0 : i32
    %sign3A_183 = arith.cmpi slt, %jit3A_170, %sign3A_182 : i32
    %sign3A_184 = arith.extui %sign3A_183 : i1 to i32
    %sign3A_185 = arith.subi %sign3A_181, %sign3A_184 : i32
    %ne3A_186 = arith.cmpi ne, %sign3A_178, %sign3A_185 : i32
    %rem3A_187 = arith.remsi %add3A_169, %jit3A_170 : i32
    %ne3A_188 = arith.constant 0 : i32
    %ne3A_189 = arith.cmpi ne, %rem3A_187, %ne3A_188 : i32
    %and3A_190 = arith.andi %ne3A_186, %ne3A_189 : i1
    %sub3A_191 = arith.constant 1 : i32
    %sub3A_192 = arith.subi %div3A_171, %sub3A_191 : i32
    %select_n3A_193 = arith.select %and3A_190, %sub3A_192, %div3A_171 : i32
    %jit3A_194 = arith.constant 16 : i32
    %eq3A_195 = arith.constant 0 : i32
    %eq3A_196 = arith.cmpi eq, %jit3A_194, %eq3A_195 : i32
    %jit3A_197 = arith.constant 1 : i32
    %select_n3A_198 = arith.select %eq3A_196, %jit3A_197, %jit3A_194 : i32
    %rem3A_199 = arith.remsi %add3A_169, %select_n3A_198 : i32
    %ne3A_200 = arith.constant 0 : i32
    %ne3A_201 = arith.cmpi ne, %rem3A_199, %ne3A_200 : i32
    %lt3A_202 = arith.constant 0 : i32
    %lt3A_203 = arith.cmpi slt, %rem3A_199, %lt3A_202 : i32
    %lt3A_204 = arith.constant 0 : i32
    %lt3A_205 = arith.cmpi slt, %select_n3A_198, %lt3A_204 : i32
    %ne3A_206 = arith.xori %lt3A_203, %lt3A_205 : i1
    %and3A_207 = arith.andi %ne3A_206, %ne3A_201 : i1
    %add3A_208 = arith.addi %rem3A_199, %select_n3A_198 : i32
    %select_n3A_209 = arith.select %and3A_207, %add3A_208, %rem3A_199 : i32
    %mul3A_210 = arith.constant 8 : i32
    %mul3A_211 = arith.muli %mul3A_210, %select_n3A_209 : i32
    %multiple_of3A_212 = tpu.assume_multiple %mul3A_211, 8 : i32
    %sub3A_213 = arith.constant 15 : i32
    %sub3A_214 = arith.subi %sub3A_213, %select_n3A_193 : i32
    %mul3A_215 = arith.constant 128 : i32
    %mul3A_216 = arith.muli %mul3A_215, %sub3A_214 : i32
    %multiple_of3A_217 = tpu.assume_multiple %mul3A_216, 128 : i32
    %mul3A_218 = arith.constant 8 : i32
    %mul3A_219 = arith.muli %mul3A_218, %add3A_169 : i32
    %multiple_of3A_220 = tpu.assume_multiple %mul3A_219, 8 : i32
    %dma_start3A_221 = arith.constant 0 : i32
    %dma_start3A_222 = tpu.memref_slice %arg3[%multiple_of3A_220, %dma_start3A_221] : memref<2048x2048xf32, #tpu.memory_space<hbm>> -> memref<8x2048xf32, #tpu.memory_space<hbm>>
    %dma_start3A_223 = tpu.memref_slice %arg4[%multiple_of3A_212, %multiple_of3A_217] : memref<128x4096xf32, #tpu.memory_space<vmem_shared>> -> memref<8x2048xf32, #tpu.memory_space<vmem_shared>>
    tpu.enqueue_dma source(%dma_start3A_223 : memref<8x2048xf32, #tpu.memory_space<vmem_shared>>) target(%dma_start3A_222 : memref<8x2048xf32, #tpu.memory_space<hbm>>) target_semaphore(%arg5 : memref<!tpu.dma_semaphore, #tpu.memory_space<semaphore_mem>>)
    %mul3A_224 = arith.constant 8 : i32
    %mul3A_225 = arith.muli %add3A, %mul3A_224 : i32
    %add3A_226 = arith.constant 4 : i32
    %add3A_227 = arith.addi %mul3A_225, %add3A_226 : i32
    %jit3A_228 = arith.constant 16 : i32
    %div3A_229 = arith.divsi %add3A_227, %jit3A_228 : i32
    %sign3A_230 = arith.constant 0 : i32
    %sign3A_231 = arith.cmpi sgt, %add3A_227, %sign3A_230 : i32
    %sign3A_232 = arith.extui %sign3A_231 : i1 to i32
    %sign3A_233 = arith.constant 0 : i32
    %sign3A_234 = arith.cmpi slt, %add3A_227, %sign3A_233 : i32
    %sign3A_235 = arith.extui %sign3A_234 : i1 to i32
    %sign3A_236 = arith.subi %sign3A_232, %sign3A_235 : i32
    %sign3A_237 = arith.constant 0 : i32
    %sign3A_238 = arith.cmpi sgt, %jit3A_228, %sign3A_237 : i32
    %sign3A_239 = arith.extui %sign3A_238 : i1 to i32
    %sign3A_240 = arith.constant 0 : i32
    %sign3A_241 = arith.cmpi slt, %jit3A_228, %sign3A_240 : i32
    %sign3A_242 = arith.extui %sign3A_241 : i1 to i32
    %sign3A_243 = arith.subi %sign3A_239, %sign3A_242 : i32
    %ne3A_244 = arith.cmpi ne, %sign3A_236, %sign3A_243 : i32
    %rem3A_245 = arith.remsi %add3A_227, %jit3A_228 : i32
    %ne3A_246 = arith.constant 0 : i32
    %ne3A_247 = arith.cmpi ne, %rem3A_245, %ne3A_246 : i32
    %and3A_248 = arith.andi %ne3A_244, %ne3A_247 : i1
    %sub3A_249 = arith.constant 1 : i32
    %sub3A_250 = arith.subi %div3A_229, %sub3A_249 : i32
    %select_n3A_251 = arith.select %and3A_248, %sub3A_250, %div3A_229 : i32
    %jit3A_252 = arith.constant 16 : i32
    %eq3A_253 = arith.constant 0 : i32
    %eq3A_254 = arith.cmpi eq, %jit3A_252, %eq3A_253 : i32
    %jit3A_255 = arith.constant 1 : i32
    %select_n3A_256 = arith.select %eq3A_254, %jit3A_255, %jit3A_252 : i32
    %rem3A_257 = arith.remsi %add3A_227, %select_n3A_256 : i32
    %ne3A_258 = arith.constant 0 : i32
    %ne3A_259 = arith.cmpi ne, %rem3A_257, %ne3A_258 : i32
    %lt3A_260 = arith.constant 0 : i32
    %lt3A_261 = arith.cmpi slt, %rem3A_257, %lt3A_260 : i32
    %lt3A_262 = arith.constant 0 : i32
    %lt3A_263 = arith.cmpi slt, %select_n3A_256, %lt3A_262 : i32
    %ne3A_264 = arith.xori %lt3A_261, %lt3A_263 : i1
    %and3A_265 = arith.andi %ne3A_264, %ne3A_259 : i1
    %add3A_266 = arith.addi %rem3A_257, %select_n3A_256 : i32
    %select_n3A_267 = arith.select %and3A_265, %add3A_266, %rem3A_257 : i32
    %mul3A_268 = arith.constant 8 : i32
    %mul3A_269 = arith.muli %mul3A_268, %select_n3A_267 : i32
    %multiple_of3A_270 = tpu.assume_multiple %mul3A_269, 8 : i32
    %sub3A_271 = arith.constant 15 : i32
    %sub3A_272 = arith.subi %sub3A_271, %select_n3A_251 : i32
    %mul3A_273 = arith.constant 128 : i32
    %mul3A_274 = arith.muli %mul3A_273, %sub3A_272 : i32
    %multiple_of3A_275 = tpu.assume_multiple %mul3A_274, 128 : i32
    %mul3A_276 = arith.constant 8 : i32
    %mul3A_277 = arith.muli %mul3A_276, %add3A_227 : i32
    %multiple_of3A_278 = tpu.assume_multiple %mul3A_277, 8 : i32
    %dma_start3A_279 = arith.constant 0 : i32
    %dma_start3A_280 = tpu.memref_slice %arg3[%multiple_of3A_278, %dma_start3A_279] : memref<2048x2048xf32, #tpu.memory_space<hbm>> -> memref<8x2048xf32, #tpu.memory_space<hbm>>
    %dma_start3A_281 = tpu.memref_slice %arg4[%multiple_of3A_270, %multiple_of3A_275] : memref<128x4096xf32, #tpu.memory_space<vmem_shared>> -> memref<8x2048xf32, #tpu.memory_space<vmem_shared>>
    tpu.enqueue_dma source(%dma_start3A_281 : memref<8x2048xf32, #tpu.memory_space<vmem_shared>>) target(%dma_start3A_280 : memref<8x2048xf32, #tpu.memory_space<hbm>>) target_semaphore(%arg5 : memref<!tpu.dma_semaphore, #tpu.memory_space<semaphore_mem>>)
    %mul3A_282 = arith.constant 8 : i32
    %mul3A_283 = arith.muli %add3A, %mul3A_282 : i32
    %add3A_284 = arith.constant 5 : i32
    %add3A_285 = arith.addi %mul3A_283, %add3A_284 : i32
    %jit3A_286 = arith.constant 16 : i32
    %div3A_287 = arith.divsi %add3A_285, %jit3A_286 : i32
    %sign3A_288 = arith.constant 0 : i32
    %sign3A_289 = arith.cmpi sgt, %add3A_285, %sign3A_288 : i32
    %sign3A_290 = arith.extui %sign3A_289 : i1 to i32
    %sign3A_291 = arith.constant 0 : i32
    %sign3A_292 = arith.cmpi slt, %add3A_285, %sign3A_291 : i32
    %sign3A_293 = arith.extui %sign3A_292 : i1 to i32
    %sign3A_294 = arith.subi %sign3A_290, %sign3A_293 : i32
    %sign3A_295 = arith.constant 0 : i32
    %sign3A_296 = arith.cmpi sgt, %jit3A_286, %sign3A_295 : i32
    %sign3A_297 = arith.extui %sign3A_296 : i1 to i32
    %sign3A_298 = arith.constant 0 : i32
    %sign3A_299 = arith.cmpi slt, %jit3A_286, %sign3A_298 : i32
    %sign3A_300 = arith.extui %sign3A_299 : i1 to i32
    %sign3A_301 = arith.subi %sign3A_297, %sign3A_300 : i32
    %ne3A_302 = arith.cmpi ne, %sign3A_294, %sign3A_301 : i32
    %rem3A_303 = arith.remsi %add3A_285, %jit3A_286 : i32
    %ne3A_304 = arith.constant 0 : i32
    %ne3A_305 = arith.cmpi ne, %rem3A_303, %ne3A_304 : i32
    %and3A_306 = arith.andi %ne3A_302, %ne3A_305 : i1
    %sub3A_307 = arith.constant 1 : i32
    %sub3A_308 = arith.subi %div3A_287, %sub3A_307 : i32
    %select_n3A_309 = arith.select %and3A_306, %sub3A_308, %div3A_287 : i32
    %jit3A_310 = arith.constant 16 : i32
    %eq3A_311 = arith.constant 0 : i32
    %eq3A_312 = arith.cmpi eq, %jit3A_310, %eq3A_311 : i32
    %jit3A_313 = arith.constant 1 : i32
    %select_n3A_314 = arith.select %eq3A_312, %jit3A_313, %jit3A_310 : i32
    %rem3A_315 = arith.remsi %add3A_285, %select_n3A_314 : i32
    %ne3A_316 = arith.constant 0 : i32
    %ne3A_317 = arith.cmpi ne, %rem3A_315, %ne3A_316 : i32
    %lt3A_318 = arith.constant 0 : i32
    %lt3A_319 = arith.cmpi slt, %rem3A_315, %lt3A_318 : i32
    %lt3A_320 = arith.constant 0 : i32
    %lt3A_321 = arith.cmpi slt, %select_n3A_314, %lt3A_320 : i32
    %ne3A_322 = arith.xori %lt3A_319, %lt3A_321 : i1
    %and3A_323 = arith.andi %ne3A_322, %ne3A_317 : i1
    %add3A_324 = arith.addi %rem3A_315, %select_n3A_314 : i32
    %select_n3A_325 = arith.select %and3A_323, %add3A_324, %rem3A_315 : i32
    %mul3A_326 = arith.constant 8 : i32
    %mul3A_327 = arith.muli %mul3A_326, %select_n3A_325 : i32
    %multiple_of3A_328 = tpu.assume_multiple %mul3A_327, 8 : i32
    %sub3A_329 = arith.constant 15 : i32
    %sub3A_330 = arith.subi %sub3A_329, %select_n3A_309 : i32
    %mul3A_331 = arith.constant 128 : i32
    %mul3A_332 = arith.muli %mul3A_331, %sub3A_330 : i32
    %multiple_of3A_333 = tpu.assume_multiple %mul3A_332, 128 : i32
    %mul3A_334 = arith.constant 8 : i32
    %mul3A_335 = arith.muli %mul3A_334, %add3A_285 : i32
    %multiple_of3A_336 = tpu.assume_multiple %mul3A_335, 8 : i32
    %dma_start3A_337 = arith.constant 0 : i32
    %dma_start3A_338 = tpu.memref_slice %arg3[%multiple_of3A_336, %dma_start3A_337] : memref<2048x2048xf32, #tpu.memory_space<hbm>> -> memref<8x2048xf32, #tpu.memory_space<hbm>>
    %dma_start3A_339 = tpu.memref_slice %arg4[%multiple_of3A_328, %multiple_of3A_333] : memref<128x4096xf32, #tpu.memory_space<vmem_shared>> -> memref<8x2048xf32, #tpu.memory_space<vmem_shared>>
    tpu.enqueue_dma source(%dma_start3A_339 : memref<8x2048xf32, #tpu.memory_space<vmem_shared>>) target(%dma_start3A_338 : memref<8x2048xf32, #tpu.memory_space<hbm>>) target_semaphore(%arg5 : memref<!tpu.dma_semaphore, #tpu.memory_space<semaphore_mem>>)
    %mul3A_340 = arith.constant 8 : i32
    %mul3A_341 = arith.muli %add3A, %mul3A_340 : i32
    %add3A_342 = arith.constant 6 : i32
    %add3A_343 = arith.addi %mul3A_341, %add3A_342 : i32
    %jit3A_344 = arith.constant 16 : i32
    %div3A_345 = arith.divsi %add3A_343, %jit3A_344 : i32
    %sign3A_346 = arith.constant 0 : i32
    %sign3A_347 = arith.cmpi sgt, %add3A_343, %sign3A_346 : i32
    %sign3A_348 = arith.extui %sign3A_347 : i1 to i32
    %sign3A_349 = arith.constant 0 : i32
    %sign3A_350 = arith.cmpi slt, %add3A_343, %sign3A_349 : i32
    %sign3A_351 = arith.extui %sign3A_350 : i1 to i32
    %sign3A_352 = arith.subi %sign3A_348, %sign3A_351 : i32
    %sign3A_353 = arith.constant 0 : i32
    %sign3A_354 = arith.cmpi sgt, %jit3A_344, %sign3A_353 : i32
    %sign3A_355 = arith.extui %sign3A_354 : i1 to i32
    %sign3A_356 = arith.constant 0 : i32
    %sign3A_357 = arith.cmpi slt, %jit3A_344, %sign3A_356 : i32
    %sign3A_358 = arith.extui %sign3A_357 : i1 to i32
    %sign3A_359 = arith.subi %sign3A_355, %sign3A_358 : i32
    %ne3A_360 = arith.cmpi ne, %sign3A_352, %sign3A_359 : i32
    %rem3A_361 = arith.remsi %add3A_343, %jit3A_344 : i32
    %ne3A_362 = arith.constant 0 : i32
    %ne3A_363 = arith.cmpi ne, %rem3A_361, %ne3A_362 : i32
    %and3A_364 = arith.andi %ne3A_360, %ne3A_363 : i1
    %sub3A_365 = arith.constant 1 : i32
    %sub3A_366 = arith.subi %div3A_345, %sub3A_365 : i32
    %select_n3A_367 = arith.select %and3A_364, %sub3A_366, %div3A_345 : i32
    %jit3A_368 = arith.constant 16 : i32
    %eq3A_369 = arith.constant 0 : i32
    %eq3A_370 = arith.cmpi eq, %jit3A_368, %eq3A_369 : i32
    %jit3A_371 = arith.constant 1 : i32
    %select_n3A_372 = arith.select %eq3A_370, %jit3A_371, %jit3A_368 : i32
    %rem3A_373 = arith.remsi %add3A_343, %select_n3A_372 : i32
    %ne3A_374 = arith.constant 0 : i32
    %ne3A_375 = arith.cmpi ne, %rem3A_373, %ne3A_374 : i32
    %lt3A_376 = arith.constant 0 : i32
    %lt3A_377 = arith.cmpi slt, %rem3A_373, %lt3A_376 : i32
    %lt3A_378 = arith.constant 0 : i32
    %lt3A_379 = arith.cmpi slt, %select_n3A_372, %lt3A_378 : i32
    %ne3A_380 = arith.xori %lt3A_377, %lt3A_379 : i1
    %and3A_381 = arith.andi %ne3A_380, %ne3A_375 : i1
    %add3A_382 = arith.addi %rem3A_373, %select_n3A_372 : i32
    %select_n3A_383 = arith.select %and3A_381, %add3A_382, %rem3A_373 : i32
    %mul3A_384 = arith.constant 8 : i32
    %mul3A_385 = arith.muli %mul3A_384, %select_n3A_383 : i32
    %multiple_of3A_386 = tpu.assume_multiple %mul3A_385, 8 : i32
    %sub3A_387 = arith.constant 15 : i32
    %sub3A_388 = arith.subi %sub3A_387, %select_n3A_367 : i32
    %mul3A_389 = arith.constant 128 : i32
    %mul3A_390 = arith.muli %mul3A_389, %sub3A_388 : i32
    %multiple_of3A_391 = tpu.assume_multiple %mul3A_390, 128 : i32
    %mul3A_392 = arith.constant 8 : i32
    %mul3A_393 = arith.muli %mul3A_392, %add3A_343 : i32
    %multiple_of3A_394 = tpu.assume_multiple %mul3A_393, 8 : i32
    %dma_start3A_395 = arith.constant 0 : i32
    %dma_start3A_396 = tpu.memref_slice %arg3[%multiple_of3A_394, %dma_start3A_395] : memref<2048x2048xf32, #tpu.memory_space<hbm>> -> memref<8x2048xf32, #tpu.memory_space<hbm>>
    %dma_start3A_397 = tpu.memref_slice %arg4[%multiple_of3A_386, %multiple_of3A_391] : memref<128x4096xf32, #tpu.memory_space<vmem_shared>> -> memref<8x2048xf32, #tpu.memory_space<vmem_shared>>
    tpu.enqueue_dma source(%dma_start3A_397 : memref<8x2048xf32, #tpu.memory_space<vmem_shared>>) target(%dma_start3A_396 : memref<8x2048xf32, #tpu.memory_space<hbm>>) target_semaphore(%arg5 : memref<!tpu.dma_semaphore, #tpu.memory_space<semaphore_mem>>)
    %mul3A_398 = arith.constant 8 : i32
    %mul3A_399 = arith.muli %add3A, %mul3A_398 : i32
    %add3A_400 = arith.constant 7 : i32
    %add3A_401 = arith.addi %mul3A_399, %add3A_400 : i32
    %jit3A_402 = arith.constant 16 : i32
    %div3A_403 = arith.divsi %add3A_401, %jit3A_402 : i32
    %sign3A_404 = arith.constant 0 : i32
    %sign3A_405 = arith.cmpi sgt, %add3A_401, %sign3A_404 : i32
    %sign3A_406 = arith.extui %sign3A_405 : i1 to i32
    %sign3A_407 = arith.constant 0 : i32
    %sign3A_408 = arith.cmpi slt, %add3A_401, %sign3A_407 : i32
    %sign3A_409 = arith.extui %sign3A_408 : i1 to i32
    %sign3A_410 = arith.subi %sign3A_406, %sign3A_409 : i32
    %sign3A_411 = arith.constant 0 : i32
    %sign3A_412 = arith.cmpi sgt, %jit3A_402, %sign3A_411 : i32
    %sign3A_413 = arith.extui %sign3A_412 : i1 to i32
    %sign3A_414 = arith.constant 0 : i32
    %sign3A_415 = arith.cmpi slt, %jit3A_402, %sign3A_414 : i32
    %sign3A_416 = arith.extui %sign3A_415 : i1 to i32
    %sign3A_417 = arith.subi %sign3A_413, %sign3A_416 : i32
    %ne3A_418 = arith.cmpi ne, %sign3A_410, %sign3A_417 : i32
    %rem3A_419 = arith.remsi %add3A_401, %jit3A_402 : i32
    %ne3A_420 = arith.constant 0 : i32
    %ne3A_421 = arith.cmpi ne, %rem3A_419, %ne3A_420 : i32
    %and3A_422 = arith.andi %ne3A_418, %ne3A_421 : i1
    %sub3A_423 = arith.constant 1 : i32
    %sub3A_424 = arith.subi %div3A_403, %sub3A_423 : i32
    %select_n3A_425 = arith.select %and3A_422, %sub3A_424, %div3A_403 : i32
    %jit3A_426 = arith.constant 16 : i32
    %eq3A_427 = arith.constant 0 : i32
    %eq3A_428 = arith.cmpi eq, %jit3A_426, %eq3A_427 : i32
    %jit3A_429 = arith.constant 1 : i32
    %select_n3A_430 = arith.select %eq3A_428, %jit3A_429, %jit3A_426 : i32
    %rem3A_431 = arith.remsi %add3A_401, %select_n3A_430 : i32
    %ne3A_432 = arith.constant 0 : i32
    %ne3A_433 = arith.cmpi ne, %rem3A_431, %ne3A_432 : i32
    %lt3A_434 = arith.constant 0 : i32
    %lt3A_435 = arith.cmpi slt, %rem3A_431, %lt3A_434 : i32
    %lt3A_436 = arith.constant 0 : i32
    %lt3A_437 = arith.cmpi slt, %select_n3A_430, %lt3A_436 : i32
    %ne3A_438 = arith.xori %lt3A_435, %lt3A_437 : i1
    %and3A_439 = arith.andi %ne3A_438, %ne3A_433 : i1
    %add3A_440 = arith.addi %rem3A_431, %select_n3A_430 : i32
    %select_n3A_441 = arith.select %and3A_439, %add3A_440, %rem3A_431 : i32
    %mul3A_442 = arith.constant 8 : i32
    %mul3A_443 = arith.muli %mul3A_442, %select_n3A_441 : i32
    %multiple_of3A_444 = tpu.assume_multiple %mul3A_443, 8 : i32
    %sub3A_445 = arith.constant 15 : i32
    %sub3A_446 = arith.subi %sub3A_445, %select_n3A_425 : i32
    %mul3A_447 = arith.constant 128 : i32
    %mul3A_448 = arith.muli %mul3A_447, %sub3A_446 : i32
    %multiple_of3A_449 = tpu.assume_multiple %mul3A_448, 128 : i32
    %mul3A_450 = arith.constant 8 : i32
    %mul3A_451 = arith.muli %mul3A_450, %add3A_401 : i32
    %multiple_of3A_452 = tpu.assume_multiple %mul3A_451, 8 : i32
    %dma_start3A_453 = arith.constant 0 : i32
    %dma_start3A_454 = tpu.memref_slice %arg3[%multiple_of3A_452, %dma_start3A_453] : memref<2048x2048xf32, #tpu.memory_space<hbm>> -> memref<8x2048xf32, #tpu.memory_space<hbm>>
    %dma_start3A_455 = tpu.memref_slice %arg4[%multiple_of3A_444, %multiple_of3A_449] : memref<128x4096xf32, #tpu.memory_space<vmem_shared>> -> memref<8x2048xf32, #tpu.memory_space<vmem_shared>>
    tpu.enqueue_dma source(%dma_start3A_455 : memref<8x2048xf32, #tpu.memory_space<vmem_shared>>) target(%dma_start3A_454 : memref<8x2048xf32, #tpu.memory_space<hbm>>) target_semaphore(%arg5 : memref<!tpu.dma_semaphore, #tpu.memory_space<semaphore_mem>>)
    %dma_wait3A = arith.constant 0 : i32
    %dma_wait3A_456 = tpu.memref_slice %arg3[%multiple_of3A_47, %dma_wait3A] : memref<2048x2048xf32, #tpu.memory_space<hbm>> -> memref<8x2048xf32, #tpu.memory_space<hbm>>
    %dma_wait3A_457 = tpu.memref_slice %arg4[%multiple_of3A_39, %multiple_of3A_44] : memref<128x4096xf32, #tpu.memory_space<vmem_shared>> -> memref<8x2048xf32, #tpu.memory_space<vmem_shared>>
    tpu.wait_dma2 semaphore(%arg5 : memref<!tpu.dma_semaphore, #tpu.memory_space<semaphore_mem>>) src(%dma_wait3A_457 : memref<8x2048xf32, #tpu.memory_space<vmem_shared>>) dst(%dma_wait3A_456 : memref<8x2048xf32, #tpu.memory_space<hbm>>)
    %dma_wait3A_458 = arith.constant 0 : i32
    %dma_wait3A_459 = tpu.memref_slice %arg3[%multiple_of3A_104, %dma_wait3A_458] : memref<2048x2048xf32, #tpu.memory_space<hbm>> -> memref<8x2048xf32, #tpu.memory_space<hbm>>
    %dma_wait3A_460 = tpu.memref_slice %arg4[%multiple_of3A_96, %multiple_of3A_101] : memref<128x4096xf32, #tpu.memory_space<vmem_shared>> -> memref<8x2048xf32, #tpu.memory_space<vmem_shared>>
    tpu.wait_dma2 semaphore(%arg5 : memref<!tpu.dma_semaphore, #tpu.memory_space<semaphore_mem>>) src(%dma_wait3A_460 : memref<8x2048xf32, #tpu.memory_space<vmem_shared>>) dst(%dma_wait3A_459 : memref<8x2048xf32, #tpu.memory_space<hbm>>)
    %dma_wait3A_461 = arith.constant 0 : i32
    %dma_wait3A_462 = tpu.memref_slice %arg3[%multiple_of3A_162, %dma_wait3A_461] : memref<2048x2048xf32, #tpu.memory_space<hbm>> -> memref<8x2048xf32, #tpu.memory_space<hbm>>
    %dma_wait3A_463 = tpu.memref_slice %arg4[%multiple_of3A_154, %multiple_of3A_159] : memref<128x4096xf32, #tpu.memory_space<vmem_shared>> -> memref<8x2048xf32, #tpu.memory_space<vmem_shared>>
    tpu.wait_dma2 semaphore(%arg5 : memref<!tpu.dma_semaphore, #tpu.memory_space<semaphore_mem>>) src(%dma_wait3A_463 : memref<8x2048xf32, #tpu.memory_space<vmem_shared>>) dst(%dma_wait3A_462 : memref<8x2048xf32, #tpu.memory_space<hbm>>)
    %dma_wait3A_464 = arith.constant 0 : i32
    %dma_wait3A_465 = tpu.memref_slice %arg3[%multiple_of3A_220, %dma_wait3A_464] : memref<2048x2048xf32, #tpu.memory_space<hbm>> -> memref<8x2048xf32, #tpu.memory_space<hbm>>
    %dma_wait3A_466 = tpu.memref_slice %arg4[%multiple_of3A_212, %multiple_of3A_217] : memref<128x4096xf32, #tpu.memory_space<vmem_shared>> -> memref<8x2048xf32, #tpu.memory_space<vmem_shared>>
    tpu.wait_dma2 semaphore(%arg5 : memref<!tpu.dma_semaphore, #tpu.memory_space<semaphore_mem>>) src(%dma_wait3A_466 : memref<8x2048xf32, #tpu.memory_space<vmem_shared>>) dst(%dma_wait3A_465 : memref<8x2048xf32, #tpu.memory_space<hbm>>)
    %dma_wait3A_467 = arith.constant 0 : i32
    %dma_wait3A_468 = tpu.memref_slice %arg3[%multiple_of3A_278, %dma_wait3A_467] : memref<2048x2048xf32, #tpu.memory_space<hbm>> -> memref<8x2048xf32, #tpu.memory_space<hbm>>
    %dma_wait3A_469 = tpu.memref_slice %arg4[%multiple_of3A_270, %multiple_of3A_275] : memref<128x4096xf32, #tpu.memory_space<vmem_shared>> -> memref<8x2048xf32, #tpu.memory_space<vmem_shared>>
    tpu.wait_dma2 semaphore(%arg5 : memref<!tpu.dma_semaphore, #tpu.memory_space<semaphore_mem>>) src(%dma_wait3A_469 : memref<8x2048xf32, #tpu.memory_space<vmem_shared>>) dst(%dma_wait3A_468 : memref<8x2048xf32, #tpu.memory_space<hbm>>)
    %dma_wait3A_470 = arith.constant 0 : i32
    %dma_wait3A_471 = tpu.memref_slice %arg3[%multiple_of3A_336, %dma_wait3A_470] : memref<2048x2048xf32, #tpu.memory_space<hbm>> -> memref<8x2048xf32, #tpu.memory_space<hbm>>
    %dma_wait3A_472 = tpu.memref_slice %arg4[%multiple_of3A_328, %multiple_of3A_333] : memref<128x4096xf32, #tpu.memory_space<vmem_shared>> -> memref<8x2048xf32, #tpu.memory_space<vmem_shared>>
    tpu.wait_dma2 semaphore(%arg5 : memref<!tpu.dma_semaphore, #tpu.memory_space<semaphore_mem>>) src(%dma_wait3A_472 : memref<8x2048xf32, #tpu.memory_space<vmem_shared>>) dst(%dma_wait3A_471 : memref<8x2048xf32, #tpu.memory_space<hbm>>)
    %dma_wait3A_473 = arith.constant 0 : i32
    %dma_wait3A_474 = tpu.memref_slice %arg3[%multiple_of3A_394, %dma_wait3A_473] : memref<2048x2048xf32, #tpu.memory_space<hbm>> -> memref<8x2048xf32, #tpu.memory_space<hbm>>
    %dma_wait3A_475 = tpu.memref_slice %arg4[%multiple_of3A_386, %multiple_of3A_391] : memref<128x4096xf32, #tpu.memory_space<vmem_shared>> -> memref<8x2048xf32, #tpu.memory_space<vmem_shared>>
    tpu.wait_dma2 semaphore(%arg5 : memref<!tpu.dma_semaphore, #tpu.memory_space<semaphore_mem>>) src(%dma_wait3A_475 : memref<8x2048xf32, #tpu.memory_space<vmem_shared>>) dst(%dma_wait3A_474 : memref<8x2048xf32, #tpu.memory_space<hbm>>)
    %dma_wait3A_476 = arith.constant 0 : i32
    %dma_wait3A_477 = tpu.memref_slice %arg3[%multiple_of3A_452, %dma_wait3A_476] : memref<2048x2048xf32, #tpu.memory_space<hbm>> -> memref<8x2048xf32, #tpu.memory_space<hbm>>
    %dma_wait3A_478 = tpu.memref_slice %arg4[%multiple_of3A_444, %multiple_of3A_449] : memref<128x4096xf32, #tpu.memory_space<vmem_shared>> -> memref<8x2048xf32, #tpu.memory_space<vmem_shared>>
    tpu.wait_dma2 semaphore(%arg5 : memref<!tpu.dma_semaphore, #tpu.memory_space<semaphore_mem>>) src(%dma_wait3A_478 : memref<8x2048xf32, #tpu.memory_space<vmem_shared>>) dst(%dma_wait3A_477 : memref<8x2048xf32, #tpu.memory_space<hbm>>)
    return
  }
}

module attributes {stable_mosaic.version = 14 : i64} {
  func.func @_proj_body(%arg0: memref<4096x64xf32, #tpu.memory_space<vmem>>, %arg1: memref<1x64xf32, #tpu.memory_space<vmem>>, %arg2: memref<128x4096xf32, #tpu.memory_space<vmem>>) attributes {dimension_semantics = [], scalar_prefetch = 0 : i64, scratch_operands = 0 : i64, tpu.core_type = #tpu.core_type<tc>} {
    %get3A = arith.constant 0 : index
    %get3A_0 = arith.constant 0 : index
    %get3A_1 = vector.load %arg1[%get3A, %get3A_0] : memref<1x64xf32, #tpu.memory_space<vmem>>, vector<1x64xf32>
    %get3A_2 = arith.constant 0 : index
    %get3A_3 = arith.constant 0 : index
    %get3A_4 = vector.load %arg0[%get3A_2, %get3A_3] : memref<4096x64xf32, #tpu.memory_space<vmem>>, vector<4096x64xf32>
    %dot_general3A = arith.constant dense<0.000000e+00> : vector<1x4096xf32>
    %dot_general3A_5 = tpu.matmul %get3A_1, %get3A_4, %dot_general3A {dimension_numbers = #tpu.dot_dimension_numbers<[1], [1], [0], [0], [0, 0, 1, 0], [], []>, transpose_lhs_hint = false} : vector<1x64xf32>, vector<4096x64xf32>, vector<1x4096xf32> -> vector<1x4096xf32>
    %broadcast_in_dim3A = arith.constant 0.000000e+00 : f32
    %broadcast_in_dim3A_6 = vector.broadcast %broadcast_in_dim3A : f32 to vector<1x128xf32>
    %concatenate3A = tpu.concatenate %dot_general3A_5, %broadcast_in_dim3A_6 in 1 : vector<1x4096xf32>, vector<1x128xf32> -> vector<1x4224xf32>
    %slice3A = vector.extract_strided_slice %concatenate3A {offsets = [0, 127], sizes = [1, 4096], strides = [1, 1]} : vector<1x4224xf32> to vector<1x4096xf32>
    %squeeze3A = vector.shape_cast %slice3A : vector<1x4096xf32> to vector<4096xf32>
    %swap3A = arith.constant 0 : index
    %swap3A_7 = arith.constant 0 : index
    %swap3A_8 = vector.load %arg2[%swap3A, %swap3A_7] : memref<128x4096xf32, #tpu.memory_space<vmem>>, vector<1x4096xf32>
    %swap3A_9 = vector.shape_cast %swap3A_8 : vector<1x4096xf32> to vector<4096xf32>
    %swap3A_10 = vector.shape_cast %squeeze3A : vector<4096xf32> to vector<1x4096xf32>
    tpu.vector_store %arg2[%swap3A, %swap3A_7], %swap3A_10 {strides = array<i32>} : memref<128x4096xf32, #tpu.memory_space<vmem>>, vector<1x4096xf32>,
    %slice3A_11 = vector.extract_strided_slice %concatenate3A {offsets = [0, 126], sizes = [1, 4096], strides = [1, 1]} : vector<1x4224xf32> to vector<1x4096xf32>
    %squeeze3A_12 = vector.shape_cast %slice3A_11 : vector<1x4096xf32> to vector<4096xf32>
    %swap3A_13 = arith.constant 1 : index
    %swap3A_14 = arith.constant 0 : index
    %swap3A_15 = vector.load %arg2[%swap3A_13, %swap3A_14] : memref<128x4096xf32, #tpu.memory_space<vmem>>, vector<1x4096xf32>
    %swap3A_16 = vector.shape_cast %swap3A_15 : vector<1x4096xf32> to vector<4096xf32>
    %swap3A_17 = vector.shape_cast %squeeze3A_12 : vector<4096xf32> to vector<1x4096xf32>
    tpu.vector_store %arg2[%swap3A_13, %swap3A_14], %swap3A_17 {strides = array<i32>} : memref<128x4096xf32, #tpu.memory_space<vmem>>, vector<1x4096xf32>,
    %slice3A_18 = vector.extract_strided_slice %concatenate3A {offsets = [0, 125], sizes = [1, 4096], strides = [1, 1]} : vector<1x4224xf32> to vector<1x4096xf32>
    %squeeze3A_19 = vector.shape_cast %slice3A_18 : vector<1x4096xf32> to vector<4096xf32>
    %swap3A_20 = arith.constant 2 : index
    %swap3A_21 = arith.constant 0 : index
    %swap3A_22 = vector.load %arg2[%swap3A_20, %swap3A_21] : memref<128x4096xf32, #tpu.memory_space<vmem>>, vector<1x4096xf32>
    %swap3A_23 = vector.shape_cast %swap3A_22 : vector<1x4096xf32> to vector<4096xf32>
    %swap3A_24 = vector.shape_cast %squeeze3A_19 : vector<4096xf32> to vector<1x4096xf32>
    tpu.vector_store %arg2[%swap3A_20, %swap3A_21], %swap3A_24 {strides = array<i32>} : memref<128x4096xf32, #tpu.memory_space<vmem>>, vector<1x4096xf32>,
    %slice3A_25 = vector.extract_strided_slice %concatenate3A {offsets = [0, 124], sizes = [1, 4096], strides = [1, 1]} : vector<1x4224xf32> to vector<1x4096xf32>
    %squeeze3A_26 = vector.shape_cast %slice3A_25 : vector<1x4096xf32> to vector<4096xf32>
    %swap3A_27 = arith.constant 3 : index
    %swap3A_28 = arith.constant 0 : index
    %swap3A_29 = vector.load %arg2[%swap3A_27, %swap3A_28] : memref<128x4096xf32, #tpu.memory_space<vmem>>, vector<1x4096xf32>
    %swap3A_30 = vector.shape_cast %swap3A_29 : vector<1x4096xf32> to vector<4096xf32>
    %swap3A_31 = vector.shape_cast %squeeze3A_26 : vector<4096xf32> to vector<1x4096xf32>
    tpu.vector_store %arg2[%swap3A_27, %swap3A_28], %swap3A_31 {strides = array<i32>} : memref<128x4096xf32, #tpu.memory_space<vmem>>, vector<1x4096xf32>,
    %slice3A_32 = vector.extract_strided_slice %concatenate3A {offsets = [0, 123], sizes = [1, 4096], strides = [1, 1]} : vector<1x4224xf32> to vector<1x4096xf32>
    %squeeze3A_33 = vector.shape_cast %slice3A_32 : vector<1x4096xf32> to vector<4096xf32>
    %swap3A_34 = arith.constant 4 : index
    %swap3A_35 = arith.constant 0 : index
    %swap3A_36 = vector.load %arg2[%swap3A_34, %swap3A_35] : memref<128x4096xf32, #tpu.memory_space<vmem>>, vector<1x4096xf32>
    %swap3A_37 = vector.shape_cast %swap3A_36 : vector<1x4096xf32> to vector<4096xf32>
    %swap3A_38 = vector.shape_cast %squeeze3A_33 : vector<4096xf32> to vector<1x4096xf32>
    tpu.vector_store %arg2[%swap3A_34, %swap3A_35], %swap3A_38 {strides = array<i32>} : memref<128x4096xf32, #tpu.memory_space<vmem>>, vector<1x4096xf32>,
    %slice3A_39 = vector.extract_strided_slice %concatenate3A {offsets = [0, 122], sizes = [1, 4096], strides = [1, 1]} : vector<1x4224xf32> to vector<1x4096xf32>
    %squeeze3A_40 = vector.shape_cast %slice3A_39 : vector<1x4096xf32> to vector<4096xf32>
    %swap3A_41 = arith.constant 5 : index
    %swap3A_42 = arith.constant 0 : index
    %swap3A_43 = vector.load %arg2[%swap3A_41, %swap3A_42] : memref<128x4096xf32, #tpu.memory_space<vmem>>, vector<1x4096xf32>
    %swap3A_44 = vector.shape_cast %swap3A_43 : vector<1x4096xf32> to vector<4096xf32>
    %swap3A_45 = vector.shape_cast %squeeze3A_40 : vector<4096xf32> to vector<1x4096xf32>
    tpu.vector_store %arg2[%swap3A_41, %swap3A_42], %swap3A_45 {strides = array<i32>} : memref<128x4096xf32, #tpu.memory_space<vmem>>, vector<1x4096xf32>,
    %slice3A_46 = vector.extract_strided_slice %concatenate3A {offsets = [0, 121], sizes = [1, 4096], strides = [1, 1]} : vector<1x4224xf32> to vector<1x4096xf32>
    %squeeze3A_47 = vector.shape_cast %slice3A_46 : vector<1x4096xf32> to vector<4096xf32>
    %swap3A_48 = arith.constant 6 : index
    %swap3A_49 = arith.constant 0 : index
    %swap3A_50 = vector.load %arg2[%swap3A_48, %swap3A_49] : memref<128x4096xf32, #tpu.memory_space<vmem>>, vector<1x4096xf32>
    %swap3A_51 = vector.shape_cast %swap3A_50 : vector<1x4096xf32> to vector<4096xf32>
    %swap3A_52 = vector.shape_cast %squeeze3A_47 : vector<4096xf32> to vector<1x4096xf32>
    tpu.vector_store %arg2[%swap3A_48, %swap3A_49], %swap3A_52 {strides = array<i32>} : memref<128x4096xf32, #tpu.memory_space<vmem>>, vector<1x4096xf32>,
    %slice3A_53 = vector.extract_strided_slice %concatenate3A {offsets = [0, 120], sizes = [1, 4096], strides = [1, 1]} : vector<1x4224xf32> to vector<1x4096xf32>
    %squeeze3A_54 = vector.shape_cast %slice3A_53 : vector<1x4096xf32> to vector<4096xf32>
    %swap3A_55 = arith.constant 7 : index
    %swap3A_56 = arith.constant 0 : index
    %swap3A_57 = vector.load %arg2[%swap3A_55, %swap3A_56] : memref<128x4096xf32, #tpu.memory_space<vmem>>, vector<1x4096xf32>
    %swap3A_58 = vector.shape_cast %swap3A_57 : vector<1x4096xf32> to vector<4096xf32>
    %swap3A_59 = vector.shape_cast %squeeze3A_54 : vector<4096xf32> to vector<1x4096xf32>
    tpu.vector_store %arg2[%swap3A_55, %swap3A_56], %swap3A_59 {strides = array<i32>} : memref<128x4096xf32, #tpu.memory_space<vmem>>, vector<1x4096xf32>,
    %slice3A_60 = vector.extract_strided_slice %concatenate3A {offsets = [0, 119], sizes = [1, 4096], strides = [1, 1]} : vector<1x4224xf32> to vector<1x4096xf32>
    %squeeze3A_61 = vector.shape_cast %slice3A_60 : vector<1x4096xf32> to vector<4096xf32>
    %swap3A_62 = arith.constant 8 : index
    %swap3A_63 = arith.constant 0 : index
    %swap3A_64 = vector.load %arg2[%swap3A_62, %swap3A_63] : memref<128x4096xf32, #tpu.memory_space<vmem>>, vector<1x4096xf32>
    %swap3A_65 = vector.shape_cast %swap3A_64 : vector<1x4096xf32> to vector<4096xf32>
    %swap3A_66 = vector.shape_cast %squeeze3A_61 : vector<4096xf32> to vector<1x4096xf32>
    tpu.vector_store %arg2[%swap3A_62, %swap3A_63], %swap3A_66 {strides = array<i32>} : memref<128x4096xf32, #tpu.memory_space<vmem>>, vector<1x4096xf32>,
    %slice3A_67 = vector.extract_strided_slice %concatenate3A {offsets = [0, 118], sizes = [1, 4096], strides = [1, 1]} : vector<1x4224xf32> to vector<1x4096xf32>
    %squeeze3A_68 = vector.shape_cast %slice3A_67 : vector<1x4096xf32> to vector<4096xf32>
    %swap3A_69 = arith.constant 9 : index
    %swap3A_70 = arith.constant 0 : index
    %swap3A_71 = vector.load %arg2[%swap3A_69, %swap3A_70] : memref<128x4096xf32, #tpu.memory_space<vmem>>, vector<1x4096xf32>
    %swap3A_72 = vector.shape_cast %swap3A_71 : vector<1x4096xf32> to vector<4096xf32>
    %swap3A_73 = vector.shape_cast %squeeze3A_68 : vector<4096xf32> to vector<1x4096xf32>
    tpu.vector_store %arg2[%swap3A_69, %swap3A_70], %swap3A_73 {strides = array<i32>} : memref<128x4096xf32, #tpu.memory_space<vmem>>, vector<1x4096xf32>,
    %slice3A_74 = vector.extract_strided_slice %concatenate3A {offsets = [0, 117], sizes = [1, 4096], strides = [1, 1]} : vector<1x4224xf32> to vector<1x4096xf32>
    %squeeze3A_75 = vector.shape_cast %slice3A_74 : vector<1x4096xf32> to vector<4096xf32>
    %swap3A_76 = arith.constant 10 : index
    %swap3A_77 = arith.constant 0 : index
    %swap3A_78 = vector.load %arg2[%swap3A_76, %swap3A_77] : memref<128x4096xf32, #tpu.memory_space<vmem>>, vector<1x4096xf32>
    %swap3A_79 = vector.shape_cast %swap3A_78 : vector<1x4096xf32> to vector<4096xf32>
    %swap3A_80 = vector.shape_cast %squeeze3A_75 : vector<4096xf32> to vector<1x4096xf32>
    tpu.vector_store %arg2[%swap3A_76, %swap3A_77], %swap3A_80 {strides = array<i32>} : memref<128x4096xf32, #tpu.memory_space<vmem>>, vector<1x4096xf32>,
    %slice3A_81 = vector.extract_strided_slice %concatenate3A {offsets = [0, 116], sizes = [1, 4096], strides = [1, 1]} : vector<1x4224xf32> to vector<1x4096xf32>
    %squeeze3A_82 = vector.shape_cast %slice3A_81 : vector<1x4096xf32> to vector<4096xf32>
    %swap3A_83 = arith.constant 11 : index
    %swap3A_84 = arith.constant 0 : index
    %swap3A_85 = vector.load %arg2[%swap3A_83, %swap3A_84] : memref<128x4096xf32, #tpu.memory_space<vmem>>, vector<1x4096xf32>
    %swap3A_86 = vector.shape_cast %swap3A_85 : vector<1x4096xf32> to vector<4096xf32>
    %swap3A_87 = vector.shape_cast %squeeze3A_82 : vector<4096xf32> to vector<1x4096xf32>
    tpu.vector_store %arg2[%swap3A_83, %swap3A_84], %swap3A_87 {strides = array<i32>} : memref<128x4096xf32, #tpu.memory_space<vmem>>, vector<1x4096xf32>,
    %slice3A_88 = vector.extract_strided_slice %concatenate3A {offsets = [0, 115], sizes = [1, 4096], strides = [1, 1]} : vector<1x4224xf32> to vector<1x4096xf32>
    %squeeze3A_89 = vector.shape_cast %slice3A_88 : vector<1x4096xf32> to vector<4096xf32>
    %swap3A_90 = arith.constant 12 : index
    %swap3A_91 = arith.constant 0 : index
    %swap3A_92 = vector.load %arg2[%swap3A_90, %swap3A_91] : memref<128x4096xf32, #tpu.memory_space<vmem>>, vector<1x4096xf32>
    %swap3A_93 = vector.shape_cast %swap3A_92 : vector<1x4096xf32> to vector<4096xf32>
    %swap3A_94 = vector.shape_cast %squeeze3A_89 : vector<4096xf32> to vector<1x4096xf32>
    tpu.vector_store %arg2[%swap3A_90, %swap3A_91], %swap3A_94 {strides = array<i32>} : memref<128x4096xf32, #tpu.memory_space<vmem>>, vector<1x4096xf32>,
    %slice3A_95 = vector.extract_strided_slice %concatenate3A {offsets = [0, 114], sizes = [1, 4096], strides = [1, 1]} : vector<1x4224xf32> to vector<1x4096xf32>
    %squeeze3A_96 = vector.shape_cast %slice3A_95 : vector<1x4096xf32> to vector<4096xf32>
    %swap3A_97 = arith.constant 13 : index
    %swap3A_98 = arith.constant 0 : index
    %swap3A_99 = vector.load %arg2[%swap3A_97, %swap3A_98] : memref<128x4096xf32, #tpu.memory_space<vmem>>, vector<1x4096xf32>
    %swap3A_100 = vector.shape_cast %swap3A_99 : vector<1x4096xf32> to vector<4096xf32>
    %swap3A_101 = vector.shape_cast %squeeze3A_96 : vector<4096xf32> to vector<1x4096xf32>
    tpu.vector_store %arg2[%swap3A_97, %swap3A_98], %swap3A_101 {strides = array<i32>} : memref<128x4096xf32, #tpu.memory_space<vmem>>, vector<1x4096xf32>,
    %slice3A_102 = vector.extract_strided_slice %concatenate3A {offsets = [0, 113], sizes = [1, 4096], strides = [1, 1]} : vector<1x4224xf32> to vector<1x4096xf32>
    %squeeze3A_103 = vector.shape_cast %slice3A_102 : vector<1x4096xf32> to vector<4096xf32>
    %swap3A_104 = arith.constant 14 : index
    %swap3A_105 = arith.constant 0 : index
    %swap3A_106 = vector.load %arg2[%swap3A_104, %swap3A_105] : memref<128x4096xf32, #tpu.memory_space<vmem>>, vector<1x4096xf32>
    %swap3A_107 = vector.shape_cast %swap3A_106 : vector<1x4096xf32> to vector<4096xf32>
    %swap3A_108 = vector.shape_cast %squeeze3A_103 : vector<4096xf32> to vector<1x4096xf32>
    tpu.vector_store %arg2[%swap3A_104, %swap3A_105], %swap3A_108 {strides = array<i32>} : memref<128x4096xf32, #tpu.memory_space<vmem>>, vector<1x4096xf32>,
    %slice3A_109 = vector.extract_strided_slice %concatenate3A {offsets = [0, 112], sizes = [1, 4096], strides = [1, 1]} : vector<1x4224xf32> to vector<1x4096xf32>
    %squeeze3A_110 = vector.shape_cast %slice3A_109 : vector<1x4096xf32> to vector<4096xf32>
    %swap3A_111 = arith.constant 15 : index
    %swap3A_112 = arith.constant 0 : index
    %swap3A_113 = vector.load %arg2[%swap3A_111, %swap3A_112] : memref<128x4096xf32, #tpu.memory_space<vmem>>, vector<1x4096xf32>
    %swap3A_114 = vector.shape_cast %swap3A_113 : vector<1x4096xf32> to vector<4096xf32>
    %swap3A_115 = vector.shape_cast %squeeze3A_110 : vector<4096xf32> to vector<1x4096xf32>
    tpu.vector_store %arg2[%swap3A_111, %swap3A_112], %swap3A_115 {strides = array<i32>} : memref<128x4096xf32, #tpu.memory_space<vmem>>, vector<1x4096xf32>,
    %slice3A_116 = vector.extract_strided_slice %concatenate3A {offsets = [0, 111], sizes = [1, 4096], strides = [1, 1]} : vector<1x4224xf32> to vector<1x4096xf32>
    %squeeze3A_117 = vector.shape_cast %slice3A_116 : vector<1x4096xf32> to vector<4096xf32>
    %swap3A_118 = arith.constant 16 : index
    %swap3A_119 = arith.constant 0 : index
    %swap3A_120 = vector.load %arg2[%swap3A_118, %swap3A_119] : memref<128x4096xf32, #tpu.memory_space<vmem>>, vector<1x4096xf32>
    %swap3A_121 = vector.shape_cast %swap3A_120 : vector<1x4096xf32> to vector<4096xf32>
    %swap3A_122 = vector.shape_cast %squeeze3A_117 : vector<4096xf32> to vector<1x4096xf32>
    tpu.vector_store %arg2[%swap3A_118, %swap3A_119], %swap3A_122 {strides = array<i32>} : memref<128x4096xf32, #tpu.memory_space<vmem>>, vector<1x4096xf32>,
    %slice3A_123 = vector.extract_strided_slice %concatenate3A {offsets = [0, 110], sizes = [1, 4096], strides = [1, 1]} : vector<1x4224xf32> to vector<1x4096xf32>
    %squeeze3A_124 = vector.shape_cast %slice3A_123 : vector<1x4096xf32> to vector<4096xf32>
    %swap3A_125 = arith.constant 17 : index
    %swap3A_126 = arith.constant 0 : index
    %swap3A_127 = vector.load %arg2[%swap3A_125, %swap3A_126] : memref<128x4096xf32, #tpu.memory_space<vmem>>, vector<1x4096xf32>
    %swap3A_128 = vector.shape_cast %swap3A_127 : vector<1x4096xf32> to vector<4096xf32>
    %swap3A_129 = vector.shape_cast %squeeze3A_124 : vector<4096xf32> to vector<1x4096xf32>
    tpu.vector_store %arg2[%swap3A_125, %swap3A_126], %swap3A_129 {strides = array<i32>} : memref<128x4096xf32, #tpu.memory_space<vmem>>, vector<1x4096xf32>,
    %slice3A_130 = vector.extract_strided_slice %concatenate3A {offsets = [0, 109], sizes = [1, 4096], strides = [1, 1]} : vector<1x4224xf32> to vector<1x4096xf32>
    %squeeze3A_131 = vector.shape_cast %slice3A_130 : vector<1x4096xf32> to vector<4096xf32>
    %swap3A_132 = arith.constant 18 : index
    %swap3A_133 = arith.constant 0 : index
    %swap3A_134 = vector.load %arg2[%swap3A_132, %swap3A_133] : memref<128x4096xf32, #tpu.memory_space<vmem>>, vector<1x4096xf32>
    %swap3A_135 = vector.shape_cast %swap3A_134 : vector<1x4096xf32> to vector<4096xf32>
    %swap3A_136 = vector.shape_cast %squeeze3A_131 : vector<4096xf32> to vector<1x4096xf32>
    tpu.vector_store %arg2[%swap3A_132, %swap3A_133], %swap3A_136 {strides = array<i32>} : memref<128x4096xf32, #tpu.memory_space<vmem>>, vector<1x4096xf32>,
    %slice3A_137 = vector.extract_strided_slice %concatenate3A {offsets = [0, 108], sizes = [1, 4096], strides = [1, 1]} : vector<1x4224xf32> to vector<1x4096xf32>
    %squeeze3A_138 = vector.shape_cast %slice3A_137 : vector<1x4096xf32> to vector<4096xf32>
    %swap3A_139 = arith.constant 19 : index
    %swap3A_140 = arith.constant 0 : index
    %swap3A_141 = vector.load %arg2[%swap3A_139, %swap3A_140] : memref<128x4096xf32, #tpu.memory_space<vmem>>, vector<1x4096xf32>
    %swap3A_142 = vector.shape_cast %swap3A_141 : vector<1x4096xf32> to vector<4096xf32>
    %swap3A_143 = vector.shape_cast %squeeze3A_138 : vector<4096xf32> to vector<1x4096xf32>
    tpu.vector_store %arg2[%swap3A_139, %swap3A_140], %swap3A_143 {strides = array<i32>} : memref<128x4096xf32, #tpu.memory_space<vmem>>, vector<1x4096xf32>,
    %slice3A_144 = vector.extract_strided_slice %concatenate3A {offsets = [0, 107], sizes = [1, 4096], strides = [1, 1]} : vector<1x4224xf32> to vector<1x4096xf32>
    %squeeze3A_145 = vector.shape_cast %slice3A_144 : vector<1x4096xf32> to vector<4096xf32>
    %swap3A_146 = arith.constant 20 : index
    %swap3A_147 = arith.constant 0 : index
    %swap3A_148 = vector.load %arg2[%swap3A_146, %swap3A_147] : memref<128x4096xf32, #tpu.memory_space<vmem>>, vector<1x4096xf32>
    %swap3A_149 = vector.shape_cast %swap3A_148 : vector<1x4096xf32> to vector<4096xf32>
    %swap3A_150 = vector.shape_cast %squeeze3A_145 : vector<4096xf32> to vector<1x4096xf32>
    tpu.vector_store %arg2[%swap3A_146, %swap3A_147], %swap3A_150 {strides = array<i32>} : memref<128x4096xf32, #tpu.memory_space<vmem>>, vector<1x4096xf32>,
    %slice3A_151 = vector.extract_strided_slice %concatenate3A {offsets = [0, 106], sizes = [1, 4096], strides = [1, 1]} : vector<1x4224xf32> to vector<1x4096xf32>
    %squeeze3A_152 = vector.shape_cast %slice3A_151 : vector<1x4096xf32> to vector<4096xf32>
    %swap3A_153 = arith.constant 21 : index
    %swap3A_154 = arith.constant 0 : index
    %swap3A_155 = vector.load %arg2[%swap3A_153, %swap3A_154] : memref<128x4096xf32, #tpu.memory_space<vmem>>, vector<1x4096xf32>
    %swap3A_156 = vector.shape_cast %swap3A_155 : vector<1x4096xf32> to vector<4096xf32>
    %swap3A_157 = vector.shape_cast %squeeze3A_152 : vector<4096xf32> to vector<1x4096xf32>
    tpu.vector_store %arg2[%swap3A_153, %swap3A_154], %swap3A_157 {strides = array<i32>} : memref<128x4096xf32, #tpu.memory_space<vmem>>, vector<1x4096xf32>,
    %slice3A_158 = vector.extract_strided_slice %concatenate3A {offsets = [0, 105], sizes = [1, 4096], strides = [1, 1]} : vector<1x4224xf32> to vector<1x4096xf32>
    %squeeze3A_159 = vector.shape_cast %slice3A_158 : vector<1x4096xf32> to vector<4096xf32>
    %swap3A_160 = arith.constant 22 : index
    %swap3A_161 = arith.constant 0 : index
    %swap3A_162 = vector.load %arg2[%swap3A_160, %swap3A_161] : memref<128x4096xf32, #tpu.memory_space<vmem>>, vector<1x4096xf32>
    %swap3A_163 = vector.shape_cast %swap3A_162 : vector<1x4096xf32> to vector<4096xf32>
    %swap3A_164 = vector.shape_cast %squeeze3A_159 : vector<4096xf32> to vector<1x4096xf32>
    tpu.vector_store %arg2[%swap3A_160, %swap3A_161], %swap3A_164 {strides = array<i32>} : memref<128x4096xf32, #tpu.memory_space<vmem>>, vector<1x4096xf32>,
    %slice3A_165 = vector.extract_strided_slice %concatenate3A {offsets = [0, 104], sizes = [1, 4096], strides = [1, 1]} : vector<1x4224xf32> to vector<1x4096xf32>
    %squeeze3A_166 = vector.shape_cast %slice3A_165 : vector<1x4096xf32> to vector<4096xf32>
    %swap3A_167 = arith.constant 23 : index
    %swap3A_168 = arith.constant 0 : index
    %swap3A_169 = vector.load %arg2[%swap3A_167, %swap3A_168] : memref<128x4096xf32, #tpu.memory_space<vmem>>, vector<1x4096xf32>
    %swap3A_170 = vector.shape_cast %swap3A_169 : vector<1x4096xf32> to vector<4096xf32>
    %swap3A_171 = vector.shape_cast %squeeze3A_166 : vector<4096xf32> to vector<1x4096xf32>
    tpu.vector_store %arg2[%swap3A_167, %swap3A_168], %swap3A_171 {strides = array<i32>} : memref<128x4096xf32, #tpu.memory_space<vmem>>, vector<1x4096xf32>,
    %slice3A_172 = vector.extract_strided_slice %concatenate3A {offsets = [0, 103], sizes = [1, 4096], strides = [1, 1]} : vector<1x4224xf32> to vector<1x4096xf32>
    %squeeze3A_173 = vector.shape_cast %slice3A_172 : vector<1x4096xf32> to vector<4096xf32>
    %swap3A_174 = arith.constant 24 : index
    %swap3A_175 = arith.constant 0 : index
    %swap3A_176 = vector.load %arg2[%swap3A_174, %swap3A_175] : memref<128x4096xf32, #tpu.memory_space<vmem>>, vector<1x4096xf32>
    %swap3A_177 = vector.shape_cast %swap3A_176 : vector<1x4096xf32> to vector<4096xf32>
    %swap3A_178 = vector.shape_cast %squeeze3A_173 : vector<4096xf32> to vector<1x4096xf32>
    tpu.vector_store %arg2[%swap3A_174, %swap3A_175], %swap3A_178 {strides = array<i32>} : memref<128x4096xf32, #tpu.memory_space<vmem>>, vector<1x4096xf32>,
    %slice3A_179 = vector.extract_strided_slice %concatenate3A {offsets = [0, 102], sizes = [1, 4096], strides = [1, 1]} : vector<1x4224xf32> to vector<1x4096xf32>
    %squeeze3A_180 = vector.shape_cast %slice3A_179 : vector<1x4096xf32> to vector<4096xf32>
    %swap3A_181 = arith.constant 25 : index
    %swap3A_182 = arith.constant 0 : index
    %swap3A_183 = vector.load %arg2[%swap3A_181, %swap3A_182] : memref<128x4096xf32, #tpu.memory_space<vmem>>, vector<1x4096xf32>
    %swap3A_184 = vector.shape_cast %swap3A_183 : vector<1x4096xf32> to vector<4096xf32>
    %swap3A_185 = vector.shape_cast %squeeze3A_180 : vector<4096xf32> to vector<1x4096xf32>
    tpu.vector_store %arg2[%swap3A_181, %swap3A_182], %swap3A_185 {strides = array<i32>} : memref<128x4096xf32, #tpu.memory_space<vmem>>, vector<1x4096xf32>,
    %slice3A_186 = vector.extract_strided_slice %concatenate3A {offsets = [0, 101], sizes = [1, 4096], strides = [1, 1]} : vector<1x4224xf32> to vector<1x4096xf32>
    %squeeze3A_187 = vector.shape_cast %slice3A_186 : vector<1x4096xf32> to vector<4096xf32>
    %swap3A_188 = arith.constant 26 : index
    %swap3A_189 = arith.constant 0 : index
    %swap3A_190 = vector.load %arg2[%swap3A_188, %swap3A_189] : memref<128x4096xf32, #tpu.memory_space<vmem>>, vector<1x4096xf32>
    %swap3A_191 = vector.shape_cast %swap3A_190 : vector<1x4096xf32> to vector<4096xf32>
    %swap3A_192 = vector.shape_cast %squeeze3A_187 : vector<4096xf32> to vector<1x4096xf32>
    tpu.vector_store %arg2[%swap3A_188, %swap3A_189], %swap3A_192 {strides = array<i32>} : memref<128x4096xf32, #tpu.memory_space<vmem>>, vector<1x4096xf32>,
    %slice3A_193 = vector.extract_strided_slice %concatenate3A {offsets = [0, 100], sizes = [1, 4096], strides = [1, 1]} : vector<1x4224xf32> to vector<1x4096xf32>
    %squeeze3A_194 = vector.shape_cast %slice3A_193 : vector<1x4096xf32> to vector<4096xf32>
    %swap3A_195 = arith.constant 27 : index
    %swap3A_196 = arith.constant 0 : index
    %swap3A_197 = vector.load %arg2[%swap3A_195, %swap3A_196] : memref<128x4096xf32, #tpu.memory_space<vmem>>, vector<1x4096xf32>
    %swap3A_198 = vector.shape_cast %swap3A_197 : vector<1x4096xf32> to vector<4096xf32>
    %swap3A_199 = vector.shape_cast %squeeze3A_194 : vector<4096xf32> to vector<1x4096xf32>
    tpu.vector_store %arg2[%swap3A_195, %swap3A_196], %swap3A_199 {strides = array<i32>} : memref<128x4096xf32, #tpu.memory_space<vmem>>, vector<1x4096xf32>,
    %slice3A_200 = vector.extract_strided_slice %concatenate3A {offsets = [0, 99], sizes = [1, 4096], strides = [1, 1]} : vector<1x4224xf32> to vector<1x4096xf32>
    %squeeze3A_201 = vector.shape_cast %slice3A_200 : vector<1x4096xf32> to vector<4096xf32>
    %swap3A_202 = arith.constant 28 : index
    %swap3A_203 = arith.constant 0 : index
    %swap3A_204 = vector.load %arg2[%swap3A_202, %swap3A_203] : memref<128x4096xf32, #tpu.memory_space<vmem>>, vector<1x4096xf32>
    %swap3A_205 = vector.shape_cast %swap3A_204 : vector<1x4096xf32> to vector<4096xf32>
    %swap3A_206 = vector.shape_cast %squeeze3A_201 : vector<4096xf32> to vector<1x4096xf32>
    tpu.vector_store %arg2[%swap3A_202, %swap3A_203], %swap3A_206 {strides = array<i32>} : memref<128x4096xf32, #tpu.memory_space<vmem>>, vector<1x4096xf32>,
    %slice3A_207 = vector.extract_strided_slice %concatenate3A {offsets = [0, 98], sizes = [1, 4096], strides = [1, 1]} : vector<1x4224xf32> to vector<1x4096xf32>
    %squeeze3A_208 = vector.shape_cast %slice3A_207 : vector<1x4096xf32> to vector<4096xf32>
    %swap3A_209 = arith.constant 29 : index
    %swap3A_210 = arith.constant 0 : index
    %swap3A_211 = vector.load %arg2[%swap3A_209, %swap3A_210] : memref<128x4096xf32, #tpu.memory_space<vmem>>, vector<1x4096xf32>
    %swap3A_212 = vector.shape_cast %swap3A_211 : vector<1x4096xf32> to vector<4096xf32>
    %swap3A_213 = vector.shape_cast %squeeze3A_208 : vector<4096xf32> to vector<1x4096xf32>
    tpu.vector_store %arg2[%swap3A_209, %swap3A_210], %swap3A_213 {strides = array<i32>} : memref<128x4096xf32, #tpu.memory_space<vmem>>, vector<1x4096xf32>,
    %slice3A_214 = vector.extract_strided_slice %concatenate3A {offsets = [0, 97], sizes = [1, 4096], strides = [1, 1]} : vector<1x4224xf32> to vector<1x4096xf32>
    %squeeze3A_215 = vector.shape_cast %slice3A_214 : vector<1x4096xf32> to vector<4096xf32>
    %swap3A_216 = arith.constant 30 : index
    %swap3A_217 = arith.constant 0 : index
    %swap3A_218 = vector.load %arg2[%swap3A_216, %swap3A_217] : memref<128x4096xf32, #tpu.memory_space<vmem>>, vector<1x4096xf32>
    %swap3A_219 = vector.shape_cast %swap3A_218 : vector<1x4096xf32> to vector<4096xf32>
    %swap3A_220 = vector.shape_cast %squeeze3A_215 : vector<4096xf32> to vector<1x4096xf32>
    tpu.vector_store %arg2[%swap3A_216, %swap3A_217], %swap3A_220 {strides = array<i32>} : memref<128x4096xf32, #tpu.memory_space<vmem>>, vector<1x4096xf32>,
    %slice3A_221 = vector.extract_strided_slice %concatenate3A {offsets = [0, 96], sizes = [1, 4096], strides = [1, 1]} : vector<1x4224xf32> to vector<1x4096xf32>
    %squeeze3A_222 = vector.shape_cast %slice3A_221 : vector<1x4096xf32> to vector<4096xf32>
    %swap3A_223 = arith.constant 31 : index
    %swap3A_224 = arith.constant 0 : index
    %swap3A_225 = vector.load %arg2[%swap3A_223, %swap3A_224] : memref<128x4096xf32, #tpu.memory_space<vmem>>, vector<1x4096xf32>
    %swap3A_226 = vector.shape_cast %swap3A_225 : vector<1x4096xf32> to vector<4096xf32>
    %swap3A_227 = vector.shape_cast %squeeze3A_222 : vector<4096xf32> to vector<1x4096xf32>
    tpu.vector_store %arg2[%swap3A_223, %swap3A_224], %swap3A_227 {strides = array<i32>} : memref<128x4096xf32, #tpu.memory_space<vmem>>, vector<1x4096xf32>,
    %slice3A_228 = vector.extract_strided_slice %concatenate3A {offsets = [0, 95], sizes = [1, 4096], strides = [1, 1]} : vector<1x4224xf32> to vector<1x4096xf32>
    %squeeze3A_229 = vector.shape_cast %slice3A_228 : vector<1x4096xf32> to vector<4096xf32>
    %swap3A_230 = arith.constant 32 : index
    %swap3A_231 = arith.constant 0 : index
    %swap3A_232 = vector.load %arg2[%swap3A_230, %swap3A_231] : memref<128x4096xf32, #tpu.memory_space<vmem>>, vector<1x4096xf32>
    %swap3A_233 = vector.shape_cast %swap3A_232 : vector<1x4096xf32> to vector<4096xf32>
    %swap3A_234 = vector.shape_cast %squeeze3A_229 : vector<4096xf32> to vector<1x4096xf32>
    tpu.vector_store %arg2[%swap3A_230, %swap3A_231], %swap3A_234 {strides = array<i32>} : memref<128x4096xf32, #tpu.memory_space<vmem>>, vector<1x4096xf32>,
    %slice3A_235 = vector.extract_strided_slice %concatenate3A {offsets = [0, 94], sizes = [1, 4096], strides = [1, 1]} : vector<1x4224xf32> to vector<1x4096xf32>
    %squeeze3A_236 = vector.shape_cast %slice3A_235 : vector<1x4096xf32> to vector<4096xf32>
    %swap3A_237 = arith.constant 33 : index
    %swap3A_238 = arith.constant 0 : index
    %swap3A_239 = vector.load %arg2[%swap3A_237, %swap3A_238] : memref<128x4096xf32, #tpu.memory_space<vmem>>, vector<1x4096xf32>
    %swap3A_240 = vector.shape_cast %swap3A_239 : vector<1x4096xf32> to vector<4096xf32>
    %swap3A_241 = vector.shape_cast %squeeze3A_236 : vector<4096xf32> to vector<1x4096xf32>
    tpu.vector_store %arg2[%swap3A_237, %swap3A_238], %swap3A_241 {strides = array<i32>} : memref<128x4096xf32, #tpu.memory_space<vmem>>, vector<1x4096xf32>,
    %slice3A_242 = vector.extract_strided_slice %concatenate3A {offsets = [0, 93], sizes = [1, 4096], strides = [1, 1]} : vector<1x4224xf32> to vector<1x4096xf32>
    %squeeze3A_243 = vector.shape_cast %slice3A_242 : vector<1x4096xf32> to vector<4096xf32>
    %swap3A_244 = arith.constant 34 : index
    %swap3A_245 = arith.constant 0 : index
    %swap3A_246 = vector.load %arg2[%swap3A_244, %swap3A_245] : memref<128x4096xf32, #tpu.memory_space<vmem>>, vector<1x4096xf32>
    %swap3A_247 = vector.shape_cast %swap3A_246 : vector<1x4096xf32> to vector<4096xf32>
    %swap3A_248 = vector.shape_cast %squeeze3A_243 : vector<4096xf32> to vector<1x4096xf32>
    tpu.vector_store %arg2[%swap3A_244, %swap3A_245], %swap3A_248 {strides = array<i32>} : memref<128x4096xf32, #tpu.memory_space<vmem>>, vector<1x4096xf32>,
    %slice3A_249 = vector.extract_strided_slice %concatenate3A {offsets = [0, 92], sizes = [1, 4096], strides = [1, 1]} : vector<1x4224xf32> to vector<1x4096xf32>
    %squeeze3A_250 = vector.shape_cast %slice3A_249 : vector<1x4096xf32> to vector<4096xf32>
    %swap3A_251 = arith.constant 35 : index
    %swap3A_252 = arith.constant 0 : index
    %swap3A_253 = vector.load %arg2[%swap3A_251, %swap3A_252] : memref<128x4096xf32, #tpu.memory_space<vmem>>, vector<1x4096xf32>
    %swap3A_254 = vector.shape_cast %swap3A_253 : vector<1x4096xf32> to vector<4096xf32>
    %swap3A_255 = vector.shape_cast %squeeze3A_250 : vector<4096xf32> to vector<1x4096xf32>
    tpu.vector_store %arg2[%swap3A_251, %swap3A_252], %swap3A_255 {strides = array<i32>} : memref<128x4096xf32, #tpu.memory_space<vmem>>, vector<1x4096xf32>,
    %slice3A_256 = vector.extract_strided_slice %concatenate3A {offsets = [0, 91], sizes = [1, 4096], strides = [1, 1]} : vector<1x4224xf32> to vector<1x4096xf32>
    %squeeze3A_257 = vector.shape_cast %slice3A_256 : vector<1x4096xf32> to vector<4096xf32>
    %swap3A_258 = arith.constant 36 : index
    %swap3A_259 = arith.constant 0 : index
    %swap3A_260 = vector.load %arg2[%swap3A_258, %swap3A_259] : memref<128x4096xf32, #tpu.memory_space<vmem>>, vector<1x4096xf32>
    %swap3A_261 = vector.shape_cast %swap3A_260 : vector<1x4096xf32> to vector<4096xf32>
    %swap3A_262 = vector.shape_cast %squeeze3A_257 : vector<4096xf32> to vector<1x4096xf32>
    tpu.vector_store %arg2[%swap3A_258, %swap3A_259], %swap3A_262 {strides = array<i32>} : memref<128x4096xf32, #tpu.memory_space<vmem>>, vector<1x4096xf32>,
    %slice3A_263 = vector.extract_strided_slice %concatenate3A {offsets = [0, 90], sizes = [1, 4096], strides = [1, 1]} : vector<1x4224xf32> to vector<1x4096xf32>
    %squeeze3A_264 = vector.shape_cast %slice3A_263 : vector<1x4096xf32> to vector<4096xf32>
    %swap3A_265 = arith.constant 37 : index
    %swap3A_266 = arith.constant 0 : index
    %swap3A_267 = vector.load %arg2[%swap3A_265, %swap3A_266] : memref<128x4096xf32, #tpu.memory_space<vmem>>, vector<1x4096xf32>
    %swap3A_268 = vector.shape_cast %swap3A_267 : vector<1x4096xf32> to vector<4096xf32>
    %swap3A_269 = vector.shape_cast %squeeze3A_264 : vector<4096xf32> to vector<1x4096xf32>
    tpu.vector_store %arg2[%swap3A_265, %swap3A_266], %swap3A_269 {strides = array<i32>} : memref<128x4096xf32, #tpu.memory_space<vmem>>, vector<1x4096xf32>,
    %slice3A_270 = vector.extract_strided_slice %concatenate3A {offsets = [0, 89], sizes = [1, 4096], strides = [1, 1]} : vector<1x4224xf32> to vector<1x4096xf32>
    %squeeze3A_271 = vector.shape_cast %slice3A_270 : vector<1x4096xf32> to vector<4096xf32>
    %swap3A_272 = arith.constant 38 : index
    %swap3A_273 = arith.constant 0 : index
    %swap3A_274 = vector.load %arg2[%swap3A_272, %swap3A_273] : memref<128x4096xf32, #tpu.memory_space<vmem>>, vector<1x4096xf32>
    %swap3A_275 = vector.shape_cast %swap3A_274 : vector<1x4096xf32> to vector<4096xf32>
    %swap3A_276 = vector.shape_cast %squeeze3A_271 : vector<4096xf32> to vector<1x4096xf32>
    tpu.vector_store %arg2[%swap3A_272, %swap3A_273], %swap3A_276 {strides = array<i32>} : memref<128x4096xf32, #tpu.memory_space<vmem>>, vector<1x4096xf32>,
    %slice3A_277 = vector.extract_strided_slice %concatenate3A {offsets = [0, 88], sizes = [1, 4096], strides = [1, 1]} : vector<1x4224xf32> to vector<1x4096xf32>
    %squeeze3A_278 = vector.shape_cast %slice3A_277 : vector<1x4096xf32> to vector<4096xf32>
    %swap3A_279 = arith.constant 39 : index
    %swap3A_280 = arith.constant 0 : index
    %swap3A_281 = vector.load %arg2[%swap3A_279, %swap3A_280] : memref<128x4096xf32, #tpu.memory_space<vmem>>, vector<1x4096xf32>
    %swap3A_282 = vector.shape_cast %swap3A_281 : vector<1x4096xf32> to vector<4096xf32>
    %swap3A_283 = vector.shape_cast %squeeze3A_278 : vector<4096xf32> to vector<1x4096xf32>
    tpu.vector_store %arg2[%swap3A_279, %swap3A_280], %swap3A_283 {strides = array<i32>} : memref<128x4096xf32, #tpu.memory_space<vmem>>, vector<1x4096xf32>,
    %slice3A_284 = vector.extract_strided_slice %concatenate3A {offsets = [0, 87], sizes = [1, 4096], strides = [1, 1]} : vector<1x4224xf32> to vector<1x4096xf32>
    %squeeze3A_285 = vector.shape_cast %slice3A_284 : vector<1x4096xf32> to vector<4096xf32>
    %swap3A_286 = arith.constant 40 : index
    %swap3A_287 = arith.constant 0 : index
    %swap3A_288 = vector.load %arg2[%swap3A_286, %swap3A_287] : memref<128x4096xf32, #tpu.memory_space<vmem>>, vector<1x4096xf32>
    %swap3A_289 = vector.shape_cast %swap3A_288 : vector<1x4096xf32> to vector<4096xf32>
    %swap3A_290 = vector.shape_cast %squeeze3A_285 : vector<4096xf32> to vector<1x4096xf32>
    tpu.vector_store %arg2[%swap3A_286, %swap3A_287], %swap3A_290 {strides = array<i32>} : memref<128x4096xf32, #tpu.memory_space<vmem>>, vector<1x4096xf32>,
    %slice3A_291 = vector.extract_strided_slice %concatenate3A {offsets = [0, 86], sizes = [1, 4096], strides = [1, 1]} : vector<1x4224xf32> to vector<1x4096xf32>
    %squeeze3A_292 = vector.shape_cast %slice3A_291 : vector<1x4096xf32> to vector<4096xf32>
    %swap3A_293 = arith.constant 41 : index
    %swap3A_294 = arith.constant 0 : index
    %swap3A_295 = vector.load %arg2[%swap3A_293, %swap3A_294] : memref<128x4096xf32, #tpu.memory_space<vmem>>, vector<1x4096xf32>
    %swap3A_296 = vector.shape_cast %swap3A_295 : vector<1x4096xf32> to vector<4096xf32>
    %swap3A_297 = vector.shape_cast %squeeze3A_292 : vector<4096xf32> to vector<1x4096xf32>
    tpu.vector_store %arg2[%swap3A_293, %swap3A_294], %swap3A_297 {strides = array<i32>} : memref<128x4096xf32, #tpu.memory_space<vmem>>, vector<1x4096xf32>,
    %slice3A_298 = vector.extract_strided_slice %concatenate3A {offsets = [0, 85], sizes = [1, 4096], strides = [1, 1]} : vector<1x4224xf32> to vector<1x4096xf32>
    %squeeze3A_299 = vector.shape_cast %slice3A_298 : vector<1x4096xf32> to vector<4096xf32>
    %swap3A_300 = arith.constant 42 : index
    %swap3A_301 = arith.constant 0 : index
    %swap3A_302 = vector.load %arg2[%swap3A_300, %swap3A_301] : memref<128x4096xf32, #tpu.memory_space<vmem>>, vector<1x4096xf32>
    %swap3A_303 = vector.shape_cast %swap3A_302 : vector<1x4096xf32> to vector<4096xf32>
    %swap3A_304 = vector.shape_cast %squeeze3A_299 : vector<4096xf32> to vector<1x4096xf32>
    tpu.vector_store %arg2[%swap3A_300, %swap3A_301], %swap3A_304 {strides = array<i32>} : memref<128x4096xf32, #tpu.memory_space<vmem>>, vector<1x4096xf32>,
    %slice3A_305 = vector.extract_strided_slice %concatenate3A {offsets = [0, 84], sizes = [1, 4096], strides = [1, 1]} : vector<1x4224xf32> to vector<1x4096xf32>
    %squeeze3A_306 = vector.shape_cast %slice3A_305 : vector<1x4096xf32> to vector<4096xf32>
    %swap3A_307 = arith.constant 43 : index
    %swap3A_308 = arith.constant 0 : index
    %swap3A_309 = vector.load %arg2[%swap3A_307, %swap3A_308] : memref<128x4096xf32, #tpu.memory_space<vmem>>, vector<1x4096xf32>
    %swap3A_310 = vector.shape_cast %swap3A_309 : vector<1x4096xf32> to vector<4096xf32>
    %swap3A_311 = vector.shape_cast %squeeze3A_306 : vector<4096xf32> to vector<1x4096xf32>
    tpu.vector_store %arg2[%swap3A_307, %swap3A_308], %swap3A_311 {strides = array<i32>} : memref<128x4096xf32, #tpu.memory_space<vmem>>, vector<1x4096xf32>,
    %slice3A_312 = vector.extract_strided_slice %concatenate3A {offsets = [0, 83], sizes = [1, 4096], strides = [1, 1]} : vector<1x4224xf32> to vector<1x4096xf32>
    %squeeze3A_313 = vector.shape_cast %slice3A_312 : vector<1x4096xf32> to vector<4096xf32>
    %swap3A_314 = arith.constant 44 : index
    %swap3A_315 = arith.constant 0 : index
    %swap3A_316 = vector.load %arg2[%swap3A_314, %swap3A_315] : memref<128x4096xf32, #tpu.memory_space<vmem>>, vector<1x4096xf32>
    %swap3A_317 = vector.shape_cast %swap3A_316 : vector<1x4096xf32> to vector<4096xf32>
    %swap3A_318 = vector.shape_cast %squeeze3A_313 : vector<4096xf32> to vector<1x4096xf32>
    tpu.vector_store %arg2[%swap3A_314, %swap3A_315], %swap3A_318 {strides = array<i32>} : memref<128x4096xf32, #tpu.memory_space<vmem>>, vector<1x4096xf32>,
    %slice3A_319 = vector.extract_strided_slice %concatenate3A {offsets = [0, 82], sizes = [1, 4096], strides = [1, 1]} : vector<1x4224xf32> to vector<1x4096xf32>
    %squeeze3A_320 = vector.shape_cast %slice3A_319 : vector<1x4096xf32> to vector<4096xf32>
    %swap3A_321 = arith.constant 45 : index
    %swap3A_322 = arith.constant 0 : index
    %swap3A_323 = vector.load %arg2[%swap3A_321, %swap3A_322] : memref<128x4096xf32, #tpu.memory_space<vmem>>, vector<1x4096xf32>
    %swap3A_324 = vector.shape_cast %swap3A_323 : vector<1x4096xf32> to vector<4096xf32>
    %swap3A_325 = vector.shape_cast %squeeze3A_320 : vector<4096xf32> to vector<1x4096xf32>
    tpu.vector_store %arg2[%swap3A_321, %swap3A_322], %swap3A_325 {strides = array<i32>} : memref<128x4096xf32, #tpu.memory_space<vmem>>, vector<1x4096xf32>,
    %slice3A_326 = vector.extract_strided_slice %concatenate3A {offsets = [0, 81], sizes = [1, 4096], strides = [1, 1]} : vector<1x4224xf32> to vector<1x4096xf32>
    %squeeze3A_327 = vector.shape_cast %slice3A_326 : vector<1x4096xf32> to vector<4096xf32>
    %swap3A_328 = arith.constant 46 : index
    %swap3A_329 = arith.constant 0 : index
    %swap3A_330 = vector.load %arg2[%swap3A_328, %swap3A_329] : memref<128x4096xf32, #tpu.memory_space<vmem>>, vector<1x4096xf32>
    %swap3A_331 = vector.shape_cast %swap3A_330 : vector<1x4096xf32> to vector<4096xf32>
    %swap3A_332 = vector.shape_cast %squeeze3A_327 : vector<4096xf32> to vector<1x4096xf32>
    tpu.vector_store %arg2[%swap3A_328, %swap3A_329], %swap3A_332 {strides = array<i32>} : memref<128x4096xf32, #tpu.memory_space<vmem>>, vector<1x4096xf32>,
    %slice3A_333 = vector.extract_strided_slice %concatenate3A {offsets = [0, 80], sizes = [1, 4096], strides = [1, 1]} : vector<1x4224xf32> to vector<1x4096xf32>
    %squeeze3A_334 = vector.shape_cast %slice3A_333 : vector<1x4096xf32> to vector<4096xf32>
    %swap3A_335 = arith.constant 47 : index
    %swap3A_336 = arith.constant 0 : index
    %swap3A_337 = vector.load %arg2[%swap3A_335, %swap3A_336] : memref<128x4096xf32, #tpu.memory_space<vmem>>, vector<1x4096xf32>
    %swap3A_338 = vector.shape_cast %swap3A_337 : vector<1x4096xf32> to vector<4096xf32>
    %swap3A_339 = vector.shape_cast %squeeze3A_334 : vector<4096xf32> to vector<1x4096xf32>
    tpu.vector_store %arg2[%swap3A_335, %swap3A_336], %swap3A_339 {strides = array<i32>} : memref<128x4096xf32, #tpu.memory_space<vmem>>, vector<1x4096xf32>,
    %slice3A_340 = vector.extract_strided_slice %concatenate3A {offsets = [0, 79], sizes = [1, 4096], strides = [1, 1]} : vector<1x4224xf32> to vector<1x4096xf32>
    %squeeze3A_341 = vector.shape_cast %slice3A_340 : vector<1x4096xf32> to vector<4096xf32>
    %swap3A_342 = arith.constant 48 : index
    %swap3A_343 = arith.constant 0 : index
    %swap3A_344 = vector.load %arg2[%swap3A_342, %swap3A_343] : memref<128x4096xf32, #tpu.memory_space<vmem>>, vector<1x4096xf32>
    %swap3A_345 = vector.shape_cast %swap3A_344 : vector<1x4096xf32> to vector<4096xf32>
    %swap3A_346 = vector.shape_cast %squeeze3A_341 : vector<4096xf32> to vector<1x4096xf32>
    tpu.vector_store %arg2[%swap3A_342, %swap3A_343], %swap3A_346 {strides = array<i32>} : memref<128x4096xf32, #tpu.memory_space<vmem>>, vector<1x4096xf32>,
    %slice3A_347 = vector.extract_strided_slice %concatenate3A {offsets = [0, 78], sizes = [1, 4096], strides = [1, 1]} : vector<1x4224xf32> to vector<1x4096xf32>
    %squeeze3A_348 = vector.shape_cast %slice3A_347 : vector<1x4096xf32> to vector<4096xf32>
    %swap3A_349 = arith.constant 49 : index
    %swap3A_350 = arith.constant 0 : index
    %swap3A_351 = vector.load %arg2[%swap3A_349, %swap3A_350] : memref<128x4096xf32, #tpu.memory_space<vmem>>, vector<1x4096xf32>
    %swap3A_352 = vector.shape_cast %swap3A_351 : vector<1x4096xf32> to vector<4096xf32>
    %swap3A_353 = vector.shape_cast %squeeze3A_348 : vector<4096xf32> to vector<1x4096xf32>
    tpu.vector_store %arg2[%swap3A_349, %swap3A_350], %swap3A_353 {strides = array<i32>} : memref<128x4096xf32, #tpu.memory_space<vmem>>, vector<1x4096xf32>,
    %slice3A_354 = vector.extract_strided_slice %concatenate3A {offsets = [0, 77], sizes = [1, 4096], strides = [1, 1]} : vector<1x4224xf32> to vector<1x4096xf32>
    %squeeze3A_355 = vector.shape_cast %slice3A_354 : vector<1x4096xf32> to vector<4096xf32>
    %swap3A_356 = arith.constant 50 : index
    %swap3A_357 = arith.constant 0 : index
    %swap3A_358 = vector.load %arg2[%swap3A_356, %swap3A_357] : memref<128x4096xf32, #tpu.memory_space<vmem>>, vector<1x4096xf32>
    %swap3A_359 = vector.shape_cast %swap3A_358 : vector<1x4096xf32> to vector<4096xf32>
    %swap3A_360 = vector.shape_cast %squeeze3A_355 : vector<4096xf32> to vector<1x4096xf32>
    tpu.vector_store %arg2[%swap3A_356, %swap3A_357], %swap3A_360 {strides = array<i32>} : memref<128x4096xf32, #tpu.memory_space<vmem>>, vector<1x4096xf32>,
    %slice3A_361 = vector.extract_strided_slice %concatenate3A {offsets = [0, 76], sizes = [1, 4096], strides = [1, 1]} : vector<1x4224xf32> to vector<1x4096xf32>
    %squeeze3A_362 = vector.shape_cast %slice3A_361 : vector<1x4096xf32> to vector<4096xf32>
    %swap3A_363 = arith.constant 51 : index
    %swap3A_364 = arith.constant 0 : index
    %swap3A_365 = vector.load %arg2[%swap3A_363, %swap3A_364] : memref<128x4096xf32, #tpu.memory_space<vmem>>, vector<1x4096xf32>
    %swap3A_366 = vector.shape_cast %swap3A_365 : vector<1x4096xf32> to vector<4096xf32>
    %swap3A_367 = vector.shape_cast %squeeze3A_362 : vector<4096xf32> to vector<1x4096xf32>
    tpu.vector_store %arg2[%swap3A_363, %swap3A_364], %swap3A_367 {strides = array<i32>} : memref<128x4096xf32, #tpu.memory_space<vmem>>, vector<1x4096xf32>,
    %slice3A_368 = vector.extract_strided_slice %concatenate3A {offsets = [0, 75], sizes = [1, 4096], strides = [1, 1]} : vector<1x4224xf32> to vector<1x4096xf32>
    %squeeze3A_369 = vector.shape_cast %slice3A_368 : vector<1x4096xf32> to vector<4096xf32>
    %swap3A_370 = arith.constant 52 : index
    %swap3A_371 = arith.constant 0 : index
    %swap3A_372 = vector.load %arg2[%swap3A_370, %swap3A_371] : memref<128x4096xf32, #tpu.memory_space<vmem>>, vector<1x4096xf32>
    %swap3A_373 = vector.shape_cast %swap3A_372 : vector<1x4096xf32> to vector<4096xf32>
    %swap3A_374 = vector.shape_cast %squeeze3A_369 : vector<4096xf32> to vector<1x4096xf32>
    tpu.vector_store %arg2[%swap3A_370, %swap3A_371], %swap3A_374 {strides = array<i32>} : memref<128x4096xf32, #tpu.memory_space<vmem>>, vector<1x4096xf32>,
    %slice3A_375 = vector.extract_strided_slice %concatenate3A {offsets = [0, 74], sizes = [1, 4096], strides = [1, 1]} : vector<1x4224xf32> to vector<1x4096xf32>
    %squeeze3A_376 = vector.shape_cast %slice3A_375 : vector<1x4096xf32> to vector<4096xf32>
    %swap3A_377 = arith.constant 53 : index
    %swap3A_378 = arith.constant 0 : index
    %swap3A_379 = vector.load %arg2[%swap3A_377, %swap3A_378] : memref<128x4096xf32, #tpu.memory_space<vmem>>, vector<1x4096xf32>
    %swap3A_380 = vector.shape_cast %swap3A_379 : vector<1x4096xf32> to vector<4096xf32>
    %swap3A_381 = vector.shape_cast %squeeze3A_376 : vector<4096xf32> to vector<1x4096xf32>
    tpu.vector_store %arg2[%swap3A_377, %swap3A_378], %swap3A_381 {strides = array<i32>} : memref<128x4096xf32, #tpu.memory_space<vmem>>, vector<1x4096xf32>,
    %slice3A_382 = vector.extract_strided_slice %concatenate3A {offsets = [0, 73], sizes = [1, 4096], strides = [1, 1]} : vector<1x4224xf32> to vector<1x4096xf32>
    %squeeze3A_383 = vector.shape_cast %slice3A_382 : vector<1x4096xf32> to vector<4096xf32>
    %swap3A_384 = arith.constant 54 : index
    %swap3A_385 = arith.constant 0 : index
    %swap3A_386 = vector.load %arg2[%swap3A_384, %swap3A_385] : memref<128x4096xf32, #tpu.memory_space<vmem>>, vector<1x4096xf32>
    %swap3A_387 = vector.shape_cast %swap3A_386 : vector<1x4096xf32> to vector<4096xf32>
    %swap3A_388 = vector.shape_cast %squeeze3A_383 : vector<4096xf32> to vector<1x4096xf32>
    tpu.vector_store %arg2[%swap3A_384, %swap3A_385], %swap3A_388 {strides = array<i32>} : memref<128x4096xf32, #tpu.memory_space<vmem>>, vector<1x4096xf32>,
    %slice3A_389 = vector.extract_strided_slice %concatenate3A {offsets = [0, 72], sizes = [1, 4096], strides = [1, 1]} : vector<1x4224xf32> to vector<1x4096xf32>
    %squeeze3A_390 = vector.shape_cast %slice3A_389 : vector<1x4096xf32> to vector<4096xf32>
    %swap3A_391 = arith.constant 55 : index
    %swap3A_392 = arith.constant 0 : index
    %swap3A_393 = vector.load %arg2[%swap3A_391, %swap3A_392] : memref<128x4096xf32, #tpu.memory_space<vmem>>, vector<1x4096xf32>
    %swap3A_394 = vector.shape_cast %swap3A_393 : vector<1x4096xf32> to vector<4096xf32>
    %swap3A_395 = vector.shape_cast %squeeze3A_390 : vector<4096xf32> to vector<1x4096xf32>
    tpu.vector_store %arg2[%swap3A_391, %swap3A_392], %swap3A_395 {strides = array<i32>} : memref<128x4096xf32, #tpu.memory_space<vmem>>, vector<1x4096xf32>,
    %slice3A_396 = vector.extract_strided_slice %concatenate3A {offsets = [0, 71], sizes = [1, 4096], strides = [1, 1]} : vector<1x4224xf32> to vector<1x4096xf32>
    %squeeze3A_397 = vector.shape_cast %slice3A_396 : vector<1x4096xf32> to vector<4096xf32>
    %swap3A_398 = arith.constant 56 : index
    %swap3A_399 = arith.constant 0 : index
    %swap3A_400 = vector.load %arg2[%swap3A_398, %swap3A_399] : memref<128x4096xf32, #tpu.memory_space<vmem>>, vector<1x4096xf32>
    %swap3A_401 = vector.shape_cast %swap3A_400 : vector<1x4096xf32> to vector<4096xf32>
    %swap3A_402 = vector.shape_cast %squeeze3A_397 : vector<4096xf32> to vector<1x4096xf32>
    tpu.vector_store %arg2[%swap3A_398, %swap3A_399], %swap3A_402 {strides = array<i32>} : memref<128x4096xf32, #tpu.memory_space<vmem>>, vector<1x4096xf32>,
    %slice3A_403 = vector.extract_strided_slice %concatenate3A {offsets = [0, 70], sizes = [1, 4096], strides = [1, 1]} : vector<1x4224xf32> to vector<1x4096xf32>
    %squeeze3A_404 = vector.shape_cast %slice3A_403 : vector<1x4096xf32> to vector<4096xf32>
    %swap3A_405 = arith.constant 57 : index
    %swap3A_406 = arith.constant 0 : index
    %swap3A_407 = vector.load %arg2[%swap3A_405, %swap3A_406] : memref<128x4096xf32, #tpu.memory_space<vmem>>, vector<1x4096xf32>
    %swap3A_408 = vector.shape_cast %swap3A_407 : vector<1x4096xf32> to vector<4096xf32>
    %swap3A_409 = vector.shape_cast %squeeze3A_404 : vector<4096xf32> to vector<1x4096xf32>
    tpu.vector_store %arg2[%swap3A_405, %swap3A_406], %swap3A_409 {strides = array<i32>} : memref<128x4096xf32, #tpu.memory_space<vmem>>, vector<1x4096xf32>,
    %slice3A_410 = vector.extract_strided_slice %concatenate3A {offsets = [0, 69], sizes = [1, 4096], strides = [1, 1]} : vector<1x4224xf32> to vector<1x4096xf32>
    %squeeze3A_411 = vector.shape_cast %slice3A_410 : vector<1x4096xf32> to vector<4096xf32>
    %swap3A_412 = arith.constant 58 : index
    %swap3A_413 = arith.constant 0 : index
    %swap3A_414 = vector.load %arg2[%swap3A_412, %swap3A_413] : memref<128x4096xf32, #tpu.memory_space<vmem>>, vector<1x4096xf32>
    %swap3A_415 = vector.shape_cast %swap3A_414 : vector<1x4096xf32> to vector<4096xf32>
    %swap3A_416 = vector.shape_cast %squeeze3A_411 : vector<4096xf32> to vector<1x4096xf32>
    tpu.vector_store %arg2[%swap3A_412, %swap3A_413], %swap3A_416 {strides = array<i32>} : memref<128x4096xf32, #tpu.memory_space<vmem>>, vector<1x4096xf32>,
    %slice3A_417 = vector.extract_strided_slice %concatenate3A {offsets = [0, 68], sizes = [1, 4096], strides = [1, 1]} : vector<1x4224xf32> to vector<1x4096xf32>
    %squeeze3A_418 = vector.shape_cast %slice3A_417 : vector<1x4096xf32> to vector<4096xf32>
    %swap3A_419 = arith.constant 59 : index
    %swap3A_420 = arith.constant 0 : index
    %swap3A_421 = vector.load %arg2[%swap3A_419, %swap3A_420] : memref<128x4096xf32, #tpu.memory_space<vmem>>, vector<1x4096xf32>
    %swap3A_422 = vector.shape_cast %swap3A_421 : vector<1x4096xf32> to vector<4096xf32>
    %swap3A_423 = vector.shape_cast %squeeze3A_418 : vector<4096xf32> to vector<1x4096xf32>
    tpu.vector_store %arg2[%swap3A_419, %swap3A_420], %swap3A_423 {strides = array<i32>} : memref<128x4096xf32, #tpu.memory_space<vmem>>, vector<1x4096xf32>,
    %slice3A_424 = vector.extract_strided_slice %concatenate3A {offsets = [0, 67], sizes = [1, 4096], strides = [1, 1]} : vector<1x4224xf32> to vector<1x4096xf32>
    %squeeze3A_425 = vector.shape_cast %slice3A_424 : vector<1x4096xf32> to vector<4096xf32>
    %swap3A_426 = arith.constant 60 : index
    %swap3A_427 = arith.constant 0 : index
    %swap3A_428 = vector.load %arg2[%swap3A_426, %swap3A_427] : memref<128x4096xf32, #tpu.memory_space<vmem>>, vector<1x4096xf32>
    %swap3A_429 = vector.shape_cast %swap3A_428 : vector<1x4096xf32> to vector<4096xf32>
    %swap3A_430 = vector.shape_cast %squeeze3A_425 : vector<4096xf32> to vector<1x4096xf32>
    tpu.vector_store %arg2[%swap3A_426, %swap3A_427], %swap3A_430 {strides = array<i32>} : memref<128x4096xf32, #tpu.memory_space<vmem>>, vector<1x4096xf32>,
    %slice3A_431 = vector.extract_strided_slice %concatenate3A {offsets = [0, 66], sizes = [1, 4096], strides = [1, 1]} : vector<1x4224xf32> to vector<1x4096xf32>
    %squeeze3A_432 = vector.shape_cast %slice3A_431 : vector<1x4096xf32> to vector<4096xf32>
    %swap3A_433 = arith.constant 61 : index
    %swap3A_434 = arith.constant 0 : index
    %swap3A_435 = vector.load %arg2[%swap3A_433, %swap3A_434] : memref<128x4096xf32, #tpu.memory_space<vmem>>, vector<1x4096xf32>
    %swap3A_436 = vector.shape_cast %swap3A_435 : vector<1x4096xf32> to vector<4096xf32>
    %swap3A_437 = vector.shape_cast %squeeze3A_432 : vector<4096xf32> to vector<1x4096xf32>
    tpu.vector_store %arg2[%swap3A_433, %swap3A_434], %swap3A_437 {strides = array<i32>} : memref<128x4096xf32, #tpu.memory_space<vmem>>, vector<1x4096xf32>,
    %slice3A_438 = vector.extract_strided_slice %concatenate3A {offsets = [0, 65], sizes = [1, 4096], strides = [1, 1]} : vector<1x4224xf32> to vector<1x4096xf32>
    %squeeze3A_439 = vector.shape_cast %slice3A_438 : vector<1x4096xf32> to vector<4096xf32>
    %swap3A_440 = arith.constant 62 : index
    %swap3A_441 = arith.constant 0 : index
    %swap3A_442 = vector.load %arg2[%swap3A_440, %swap3A_441] : memref<128x4096xf32, #tpu.memory_space<vmem>>, vector<1x4096xf32>
    %swap3A_443 = vector.shape_cast %swap3A_442 : vector<1x4096xf32> to vector<4096xf32>
    %swap3A_444 = vector.shape_cast %squeeze3A_439 : vector<4096xf32> to vector<1x4096xf32>
    tpu.vector_store %arg2[%swap3A_440, %swap3A_441], %swap3A_444 {strides = array<i32>} : memref<128x4096xf32, #tpu.memory_space<vmem>>, vector<1x4096xf32>,
    %slice3A_445 = vector.extract_strided_slice %concatenate3A {offsets = [0, 64], sizes = [1, 4096], strides = [1, 1]} : vector<1x4224xf32> to vector<1x4096xf32>
    %squeeze3A_446 = vector.shape_cast %slice3A_445 : vector<1x4096xf32> to vector<4096xf32>
    %swap3A_447 = arith.constant 63 : index
    %swap3A_448 = arith.constant 0 : index
    %swap3A_449 = vector.load %arg2[%swap3A_447, %swap3A_448] : memref<128x4096xf32, #tpu.memory_space<vmem>>, vector<1x4096xf32>
    %swap3A_450 = vector.shape_cast %swap3A_449 : vector<1x4096xf32> to vector<4096xf32>
    %swap3A_451 = vector.shape_cast %squeeze3A_446 : vector<4096xf32> to vector<1x4096xf32>
    tpu.vector_store %arg2[%swap3A_447, %swap3A_448], %swap3A_451 {strides = array<i32>} : memref<128x4096xf32, #tpu.memory_space<vmem>>, vector<1x4096xf32>,
    %slice3A_452 = vector.extract_strided_slice %concatenate3A {offsets = [0, 63], sizes = [1, 4096], strides = [1, 1]} : vector<1x4224xf32> to vector<1x4096xf32>
    %squeeze3A_453 = vector.shape_cast %slice3A_452 : vector<1x4096xf32> to vector<4096xf32>
    %swap3A_454 = arith.constant 64 : index
    %swap3A_455 = arith.constant 0 : index
    %swap3A_456 = vector.load %arg2[%swap3A_454, %swap3A_455] : memref<128x4096xf32, #tpu.memory_space<vmem>>, vector<1x4096xf32>
    %swap3A_457 = vector.shape_cast %swap3A_456 : vector<1x4096xf32> to vector<4096xf32>
    %swap3A_458 = vector.shape_cast %squeeze3A_453 : vector<4096xf32> to vector<1x4096xf32>
    tpu.vector_store %arg2[%swap3A_454, %swap3A_455], %swap3A_458 {strides = array<i32>} : memref<128x4096xf32, #tpu.memory_space<vmem>>, vector<1x4096xf32>,
    %slice3A_459 = vector.extract_strided_slice %concatenate3A {offsets = [0, 62], sizes = [1, 4096], strides = [1, 1]} : vector<1x4224xf32> to vector<1x4096xf32>
    %squeeze3A_460 = vector.shape_cast %slice3A_459 : vector<1x4096xf32> to vector<4096xf32>
    %swap3A_461 = arith.constant 65 : index
    %swap3A_462 = arith.constant 0 : index
    %swap3A_463 = vector.load %arg2[%swap3A_461, %swap3A_462] : memref<128x4096xf32, #tpu.memory_space<vmem>>, vector<1x4096xf32>
    %swap3A_464 = vector.shape_cast %swap3A_463 : vector<1x4096xf32> to vector<4096xf32>
    %swap3A_465 = vector.shape_cast %squeeze3A_460 : vector<4096xf32> to vector<1x4096xf32>
    tpu.vector_store %arg2[%swap3A_461, %swap3A_462], %swap3A_465 {strides = array<i32>} : memref<128x4096xf32, #tpu.memory_space<vmem>>, vector<1x4096xf32>,
    %slice3A_466 = vector.extract_strided_slice %concatenate3A {offsets = [0, 61], sizes = [1, 4096], strides = [1, 1]} : vector<1x4224xf32> to vector<1x4096xf32>
    %squeeze3A_467 = vector.shape_cast %slice3A_466 : vector<1x4096xf32> to vector<4096xf32>
    %swap3A_468 = arith.constant 66 : index
    %swap3A_469 = arith.constant 0 : index
    %swap3A_470 = vector.load %arg2[%swap3A_468, %swap3A_469] : memref<128x4096xf32, #tpu.memory_space<vmem>>, vector<1x4096xf32>
    %swap3A_471 = vector.shape_cast %swap3A_470 : vector<1x4096xf32> to vector<4096xf32>
    %swap3A_472 = vector.shape_cast %squeeze3A_467 : vector<4096xf32> to vector<1x4096xf32>
    tpu.vector_store %arg2[%swap3A_468, %swap3A_469], %swap3A_472 {strides = array<i32>} : memref<128x4096xf32, #tpu.memory_space<vmem>>, vector<1x4096xf32>,
    %slice3A_473 = vector.extract_strided_slice %concatenate3A {offsets = [0, 60], sizes = [1, 4096], strides = [1, 1]} : vector<1x4224xf32> to vector<1x4096xf32>
    %squeeze3A_474 = vector.shape_cast %slice3A_473 : vector<1x4096xf32> to vector<4096xf32>
    %swap3A_475 = arith.constant 67 : index
    %swap3A_476 = arith.constant 0 : index
    %swap3A_477 = vector.load %arg2[%swap3A_475, %swap3A_476] : memref<128x4096xf32, #tpu.memory_space<vmem>>, vector<1x4096xf32>
    %swap3A_478 = vector.shape_cast %swap3A_477 : vector<1x4096xf32> to vector<4096xf32>
    %swap3A_479 = vector.shape_cast %squeeze3A_474 : vector<4096xf32> to vector<1x4096xf32>
    tpu.vector_store %arg2[%swap3A_475, %swap3A_476], %swap3A_479 {strides = array<i32>} : memref<128x4096xf32, #tpu.memory_space<vmem>>, vector<1x4096xf32>,
    %slice3A_480 = vector.extract_strided_slice %concatenate3A {offsets = [0, 59], sizes = [1, 4096], strides = [1, 1]} : vector<1x4224xf32> to vector<1x4096xf32>
    %squeeze3A_481 = vector.shape_cast %slice3A_480 : vector<1x4096xf32> to vector<4096xf32>
    %swap3A_482 = arith.constant 68 : index
    %swap3A_483 = arith.constant 0 : index
    %swap3A_484 = vector.load %arg2[%swap3A_482, %swap3A_483] : memref<128x4096xf32, #tpu.memory_space<vmem>>, vector<1x4096xf32>
    %swap3A_485 = vector.shape_cast %swap3A_484 : vector<1x4096xf32> to vector<4096xf32>
    %swap3A_486 = vector.shape_cast %squeeze3A_481 : vector<4096xf32> to vector<1x4096xf32>
    tpu.vector_store %arg2[%swap3A_482, %swap3A_483], %swap3A_486 {strides = array<i32>} : memref<128x4096xf32, #tpu.memory_space<vmem>>, vector<1x4096xf32>,
    %slice3A_487 = vector.extract_strided_slice %concatenate3A {offsets = [0, 58], sizes = [1, 4096], strides = [1, 1]} : vector<1x4224xf32> to vector<1x4096xf32>
    %squeeze3A_488 = vector.shape_cast %slice3A_487 : vector<1x4096xf32> to vector<4096xf32>
    %swap3A_489 = arith.constant 69 : index
    %swap3A_490 = arith.constant 0 : index
    %swap3A_491 = vector.load %arg2[%swap3A_489, %swap3A_490] : memref<128x4096xf32, #tpu.memory_space<vmem>>, vector<1x4096xf32>
    %swap3A_492 = vector.shape_cast %swap3A_491 : vector<1x4096xf32> to vector<4096xf32>
    %swap3A_493 = vector.shape_cast %squeeze3A_488 : vector<4096xf32> to vector<1x4096xf32>
    tpu.vector_store %arg2[%swap3A_489, %swap3A_490], %swap3A_493 {strides = array<i32>} : memref<128x4096xf32, #tpu.memory_space<vmem>>, vector<1x4096xf32>,
    %slice3A_494 = vector.extract_strided_slice %concatenate3A {offsets = [0, 57], sizes = [1, 4096], strides = [1, 1]} : vector<1x4224xf32> to vector<1x4096xf32>
    %squeeze3A_495 = vector.shape_cast %slice3A_494 : vector<1x4096xf32> to vector<4096xf32>
    %swap3A_496 = arith.constant 70 : index
    %swap3A_497 = arith.constant 0 : index
    %swap3A_498 = vector.load %arg2[%swap3A_496, %swap3A_497] : memref<128x4096xf32, #tpu.memory_space<vmem>>, vector<1x4096xf32>
    %swap3A_499 = vector.shape_cast %swap3A_498 : vector<1x4096xf32> to vector<4096xf32>
    %swap3A_500 = vector.shape_cast %squeeze3A_495 : vector<4096xf32> to vector<1x4096xf32>
    tpu.vector_store %arg2[%swap3A_496, %swap3A_497], %swap3A_500 {strides = array<i32>} : memref<128x4096xf32, #tpu.memory_space<vmem>>, vector<1x4096xf32>,
    %slice3A_501 = vector.extract_strided_slice %concatenate3A {offsets = [0, 56], sizes = [1, 4096], strides = [1, 1]} : vector<1x4224xf32> to vector<1x4096xf32>
    %squeeze3A_502 = vector.shape_cast %slice3A_501 : vector<1x4096xf32> to vector<4096xf32>
    %swap3A_503 = arith.constant 71 : index
    %swap3A_504 = arith.constant 0 : index
    %swap3A_505 = vector.load %arg2[%swap3A_503, %swap3A_504] : memref<128x4096xf32, #tpu.memory_space<vmem>>, vector<1x4096xf32>
    %swap3A_506 = vector.shape_cast %swap3A_505 : vector<1x4096xf32> to vector<4096xf32>
    %swap3A_507 = vector.shape_cast %squeeze3A_502 : vector<4096xf32> to vector<1x4096xf32>
    tpu.vector_store %arg2[%swap3A_503, %swap3A_504], %swap3A_507 {strides = array<i32>} : memref<128x4096xf32, #tpu.memory_space<vmem>>, vector<1x4096xf32>,
    %slice3A_508 = vector.extract_strided_slice %concatenate3A {offsets = [0, 55], sizes = [1, 4096], strides = [1, 1]} : vector<1x4224xf32> to vector<1x4096xf32>
    %squeeze3A_509 = vector.shape_cast %slice3A_508 : vector<1x4096xf32> to vector<4096xf32>
    %swap3A_510 = arith.constant 72 : index
    %swap3A_511 = arith.constant 0 : index
    %swap3A_512 = vector.load %arg2[%swap3A_510, %swap3A_511] : memref<128x4096xf32, #tpu.memory_space<vmem>>, vector<1x4096xf32>
    %swap3A_513 = vector.shape_cast %swap3A_512 : vector<1x4096xf32> to vector<4096xf32>
    %swap3A_514 = vector.shape_cast %squeeze3A_509 : vector<4096xf32> to vector<1x4096xf32>
    tpu.vector_store %arg2[%swap3A_510, %swap3A_511], %swap3A_514 {strides = array<i32>} : memref<128x4096xf32, #tpu.memory_space<vmem>>, vector<1x4096xf32>,
    %slice3A_515 = vector.extract_strided_slice %concatenate3A {offsets = [0, 54], sizes = [1, 4096], strides = [1, 1]} : vector<1x4224xf32> to vector<1x4096xf32>
    %squeeze3A_516 = vector.shape_cast %slice3A_515 : vector<1x4096xf32> to vector<4096xf32>
    %swap3A_517 = arith.constant 73 : index
    %swap3A_518 = arith.constant 0 : index
    %swap3A_519 = vector.load %arg2[%swap3A_517, %swap3A_518] : memref<128x4096xf32, #tpu.memory_space<vmem>>, vector<1x4096xf32>
    %swap3A_520 = vector.shape_cast %swap3A_519 : vector<1x4096xf32> to vector<4096xf32>
    %swap3A_521 = vector.shape_cast %squeeze3A_516 : vector<4096xf32> to vector<1x4096xf32>
    tpu.vector_store %arg2[%swap3A_517, %swap3A_518], %swap3A_521 {strides = array<i32>} : memref<128x4096xf32, #tpu.memory_space<vmem>>, vector<1x4096xf32>,
    %slice3A_522 = vector.extract_strided_slice %concatenate3A {offsets = [0, 53], sizes = [1, 4096], strides = [1, 1]} : vector<1x4224xf32> to vector<1x4096xf32>
    %squeeze3A_523 = vector.shape_cast %slice3A_522 : vector<1x4096xf32> to vector<4096xf32>
    %swap3A_524 = arith.constant 74 : index
    %swap3A_525 = arith.constant 0 : index
    %swap3A_526 = vector.load %arg2[%swap3A_524, %swap3A_525] : memref<128x4096xf32, #tpu.memory_space<vmem>>, vector<1x4096xf32>
    %swap3A_527 = vector.shape_cast %swap3A_526 : vector<1x4096xf32> to vector<4096xf32>
    %swap3A_528 = vector.shape_cast %squeeze3A_523 : vector<4096xf32> to vector<1x4096xf32>
    tpu.vector_store %arg2[%swap3A_524, %swap3A_525], %swap3A_528 {strides = array<i32>} : memref<128x4096xf32, #tpu.memory_space<vmem>>, vector<1x4096xf32>,
    %slice3A_529 = vector.extract_strided_slice %concatenate3A {offsets = [0, 52], sizes = [1, 4096], strides = [1, 1]} : vector<1x4224xf32> to vector<1x4096xf32>
    %squeeze3A_530 = vector.shape_cast %slice3A_529 : vector<1x4096xf32> to vector<4096xf32>
    %swap3A_531 = arith.constant 75 : index
    %swap3A_532 = arith.constant 0 : index
    %swap3A_533 = vector.load %arg2[%swap3A_531, %swap3A_532] : memref<128x4096xf32, #tpu.memory_space<vmem>>, vector<1x4096xf32>
    %swap3A_534 = vector.shape_cast %swap3A_533 : vector<1x4096xf32> to vector<4096xf32>
    %swap3A_535 = vector.shape_cast %squeeze3A_530 : vector<4096xf32> to vector<1x4096xf32>
    tpu.vector_store %arg2[%swap3A_531, %swap3A_532], %swap3A_535 {strides = array<i32>} : memref<128x4096xf32, #tpu.memory_space<vmem>>, vector<1x4096xf32>,
    %slice3A_536 = vector.extract_strided_slice %concatenate3A {offsets = [0, 51], sizes = [1, 4096], strides = [1, 1]} : vector<1x4224xf32> to vector<1x4096xf32>
    %squeeze3A_537 = vector.shape_cast %slice3A_536 : vector<1x4096xf32> to vector<4096xf32>
    %swap3A_538 = arith.constant 76 : index
    %swap3A_539 = arith.constant 0 : index
    %swap3A_540 = vector.load %arg2[%swap3A_538, %swap3A_539] : memref<128x4096xf32, #tpu.memory_space<vmem>>, vector<1x4096xf32>
    %swap3A_541 = vector.shape_cast %swap3A_540 : vector<1x4096xf32> to vector<4096xf32>
    %swap3A_542 = vector.shape_cast %squeeze3A_537 : vector<4096xf32> to vector<1x4096xf32>
    tpu.vector_store %arg2[%swap3A_538, %swap3A_539], %swap3A_542 {strides = array<i32>} : memref<128x4096xf32, #tpu.memory_space<vmem>>, vector<1x4096xf32>,
    %slice3A_543 = vector.extract_strided_slice %concatenate3A {offsets = [0, 50], sizes = [1, 4096], strides = [1, 1]} : vector<1x4224xf32> to vector<1x4096xf32>
    %squeeze3A_544 = vector.shape_cast %slice3A_543 : vector<1x4096xf32> to vector<4096xf32>
    %swap3A_545 = arith.constant 77 : index
    %swap3A_546 = arith.constant 0 : index
    %swap3A_547 = vector.load %arg2[%swap3A_545, %swap3A_546] : memref<128x4096xf32, #tpu.memory_space<vmem>>, vector<1x4096xf32>
    %swap3A_548 = vector.shape_cast %swap3A_547 : vector<1x4096xf32> to vector<4096xf32>
    %swap3A_549 = vector.shape_cast %squeeze3A_544 : vector<4096xf32> to vector<1x4096xf32>
    tpu.vector_store %arg2[%swap3A_545, %swap3A_546], %swap3A_549 {strides = array<i32>} : memref<128x4096xf32, #tpu.memory_space<vmem>>, vector<1x4096xf32>,
    %slice3A_550 = vector.extract_strided_slice %concatenate3A {offsets = [0, 49], sizes = [1, 4096], strides = [1, 1]} : vector<1x4224xf32> to vector<1x4096xf32>
    %squeeze3A_551 = vector.shape_cast %slice3A_550 : vector<1x4096xf32> to vector<4096xf32>
    %swap3A_552 = arith.constant 78 : index
    %swap3A_553 = arith.constant 0 : index
    %swap3A_554 = vector.load %arg2[%swap3A_552, %swap3A_553] : memref<128x4096xf32, #tpu.memory_space<vmem>>, vector<1x4096xf32>
    %swap3A_555 = vector.shape_cast %swap3A_554 : vector<1x4096xf32> to vector<4096xf32>
    %swap3A_556 = vector.shape_cast %squeeze3A_551 : vector<4096xf32> to vector<1x4096xf32>
    tpu.vector_store %arg2[%swap3A_552, %swap3A_553], %swap3A_556 {strides = array<i32>} : memref<128x4096xf32, #tpu.memory_space<vmem>>, vector<1x4096xf32>,
    %slice3A_557 = vector.extract_strided_slice %concatenate3A {offsets = [0, 48], sizes = [1, 4096], strides = [1, 1]} : vector<1x4224xf32> to vector<1x4096xf32>
    %squeeze3A_558 = vector.shape_cast %slice3A_557 : vector<1x4096xf32> to vector<4096xf32>
    %swap3A_559 = arith.constant 79 : index
    %swap3A_560 = arith.constant 0 : index
    %swap3A_561 = vector.load %arg2[%swap3A_559, %swap3A_560] : memref<128x4096xf32, #tpu.memory_space<vmem>>, vector<1x4096xf32>
    %swap3A_562 = vector.shape_cast %swap3A_561 : vector<1x4096xf32> to vector<4096xf32>
    %swap3A_563 = vector.shape_cast %squeeze3A_558 : vector<4096xf32> to vector<1x4096xf32>
    tpu.vector_store %arg2[%swap3A_559, %swap3A_560], %swap3A_563 {strides = array<i32>} : memref<128x4096xf32, #tpu.memory_space<vmem>>, vector<1x4096xf32>,
    %slice3A_564 = vector.extract_strided_slice %concatenate3A {offsets = [0, 47], sizes = [1, 4096], strides = [1, 1]} : vector<1x4224xf32> to vector<1x4096xf32>
    %squeeze3A_565 = vector.shape_cast %slice3A_564 : vector<1x4096xf32> to vector<4096xf32>
    %swap3A_566 = arith.constant 80 : index
    %swap3A_567 = arith.constant 0 : index
    %swap3A_568 = vector.load %arg2[%swap3A_566, %swap3A_567] : memref<128x4096xf32, #tpu.memory_space<vmem>>, vector<1x4096xf32>
    %swap3A_569 = vector.shape_cast %swap3A_568 : vector<1x4096xf32> to vector<4096xf32>
    %swap3A_570 = vector.shape_cast %squeeze3A_565 : vector<4096xf32> to vector<1x4096xf32>
    tpu.vector_store %arg2[%swap3A_566, %swap3A_567], %swap3A_570 {strides = array<i32>} : memref<128x4096xf32, #tpu.memory_space<vmem>>, vector<1x4096xf32>,
    %slice3A_571 = vector.extract_strided_slice %concatenate3A {offsets = [0, 46], sizes = [1, 4096], strides = [1, 1]} : vector<1x4224xf32> to vector<1x4096xf32>
    %squeeze3A_572 = vector.shape_cast %slice3A_571 : vector<1x4096xf32> to vector<4096xf32>
    %swap3A_573 = arith.constant 81 : index
    %swap3A_574 = arith.constant 0 : index
    %swap3A_575 = vector.load %arg2[%swap3A_573, %swap3A_574] : memref<128x4096xf32, #tpu.memory_space<vmem>>, vector<1x4096xf32>
    %swap3A_576 = vector.shape_cast %swap3A_575 : vector<1x4096xf32> to vector<4096xf32>
    %swap3A_577 = vector.shape_cast %squeeze3A_572 : vector<4096xf32> to vector<1x4096xf32>
    tpu.vector_store %arg2[%swap3A_573, %swap3A_574], %swap3A_577 {strides = array<i32>} : memref<128x4096xf32, #tpu.memory_space<vmem>>, vector<1x4096xf32>,
    %slice3A_578 = vector.extract_strided_slice %concatenate3A {offsets = [0, 45], sizes = [1, 4096], strides = [1, 1]} : vector<1x4224xf32> to vector<1x4096xf32>
    %squeeze3A_579 = vector.shape_cast %slice3A_578 : vector<1x4096xf32> to vector<4096xf32>
    %swap3A_580 = arith.constant 82 : index
    %swap3A_581 = arith.constant 0 : index
    %swap3A_582 = vector.load %arg2[%swap3A_580, %swap3A_581] : memref<128x4096xf32, #tpu.memory_space<vmem>>, vector<1x4096xf32>
    %swap3A_583 = vector.shape_cast %swap3A_582 : vector<1x4096xf32> to vector<4096xf32>
    %swap3A_584 = vector.shape_cast %squeeze3A_579 : vector<4096xf32> to vector<1x4096xf32>
    tpu.vector_store %arg2[%swap3A_580, %swap3A_581], %swap3A_584 {strides = array<i32>} : memref<128x4096xf32, #tpu.memory_space<vmem>>, vector<1x4096xf32>,
    %slice3A_585 = vector.extract_strided_slice %concatenate3A {offsets = [0, 44], sizes = [1, 4096], strides = [1, 1]} : vector<1x4224xf32> to vector<1x4096xf32>
    %squeeze3A_586 = vector.shape_cast %slice3A_585 : vector<1x4096xf32> to vector<4096xf32>
    %swap3A_587 = arith.constant 83 : index
    %swap3A_588 = arith.constant 0 : index
    %swap3A_589 = vector.load %arg2[%swap3A_587, %swap3A_588] : memref<128x4096xf32, #tpu.memory_space<vmem>>, vector<1x4096xf32>
    %swap3A_590 = vector.shape_cast %swap3A_589 : vector<1x4096xf32> to vector<4096xf32>
    %swap3A_591 = vector.shape_cast %squeeze3A_586 : vector<4096xf32> to vector<1x4096xf32>
    tpu.vector_store %arg2[%swap3A_587, %swap3A_588], %swap3A_591 {strides = array<i32>} : memref<128x4096xf32, #tpu.memory_space<vmem>>, vector<1x4096xf32>,
    %slice3A_592 = vector.extract_strided_slice %concatenate3A {offsets = [0, 43], sizes = [1, 4096], strides = [1, 1]} : vector<1x4224xf32> to vector<1x4096xf32>
    %squeeze3A_593 = vector.shape_cast %slice3A_592 : vector<1x4096xf32> to vector<4096xf32>
    %swap3A_594 = arith.constant 84 : index
    %swap3A_595 = arith.constant 0 : index
    %swap3A_596 = vector.load %arg2[%swap3A_594, %swap3A_595] : memref<128x4096xf32, #tpu.memory_space<vmem>>, vector<1x4096xf32>
    %swap3A_597 = vector.shape_cast %swap3A_596 : vector<1x4096xf32> to vector<4096xf32>
    %swap3A_598 = vector.shape_cast %squeeze3A_593 : vector<4096xf32> to vector<1x4096xf32>
    tpu.vector_store %arg2[%swap3A_594, %swap3A_595], %swap3A_598 {strides = array<i32>} : memref<128x4096xf32, #tpu.memory_space<vmem>>, vector<1x4096xf32>,
    %slice3A_599 = vector.extract_strided_slice %concatenate3A {offsets = [0, 42], sizes = [1, 4096], strides = [1, 1]} : vector<1x4224xf32> to vector<1x4096xf32>
    %squeeze3A_600 = vector.shape_cast %slice3A_599 : vector<1x4096xf32> to vector<4096xf32>
    %swap3A_601 = arith.constant 85 : index
    %swap3A_602 = arith.constant 0 : index
    %swap3A_603 = vector.load %arg2[%swap3A_601, %swap3A_602] : memref<128x4096xf32, #tpu.memory_space<vmem>>, vector<1x4096xf32>
    %swap3A_604 = vector.shape_cast %swap3A_603 : vector<1x4096xf32> to vector<4096xf32>
    %swap3A_605 = vector.shape_cast %squeeze3A_600 : vector<4096xf32> to vector<1x4096xf32>
    tpu.vector_store %arg2[%swap3A_601, %swap3A_602], %swap3A_605 {strides = array<i32>} : memref<128x4096xf32, #tpu.memory_space<vmem>>, vector<1x4096xf32>,
    %slice3A_606 = vector.extract_strided_slice %concatenate3A {offsets = [0, 41], sizes = [1, 4096], strides = [1, 1]} : vector<1x4224xf32> to vector<1x4096xf32>
    %squeeze3A_607 = vector.shape_cast %slice3A_606 : vector<1x4096xf32> to vector<4096xf32>
    %swap3A_608 = arith.constant 86 : index
    %swap3A_609 = arith.constant 0 : index
    %swap3A_610 = vector.load %arg2[%swap3A_608, %swap3A_609] : memref<128x4096xf32, #tpu.memory_space<vmem>>, vector<1x4096xf32>
    %swap3A_611 = vector.shape_cast %swap3A_610 : vector<1x4096xf32> to vector<4096xf32>
    %swap3A_612 = vector.shape_cast %squeeze3A_607 : vector<4096xf32> to vector<1x4096xf32>
    tpu.vector_store %arg2[%swap3A_608, %swap3A_609], %swap3A_612 {strides = array<i32>} : memref<128x4096xf32, #tpu.memory_space<vmem>>, vector<1x4096xf32>,
    %slice3A_613 = vector.extract_strided_slice %concatenate3A {offsets = [0, 40], sizes = [1, 4096], strides = [1, 1]} : vector<1x4224xf32> to vector<1x4096xf32>
    %squeeze3A_614 = vector.shape_cast %slice3A_613 : vector<1x4096xf32> to vector<4096xf32>
    %swap3A_615 = arith.constant 87 : index
    %swap3A_616 = arith.constant 0 : index
    %swap3A_617 = vector.load %arg2[%swap3A_615, %swap3A_616] : memref<128x4096xf32, #tpu.memory_space<vmem>>, vector<1x4096xf32>
    %swap3A_618 = vector.shape_cast %swap3A_617 : vector<1x4096xf32> to vector<4096xf32>
    %swap3A_619 = vector.shape_cast %squeeze3A_614 : vector<4096xf32> to vector<1x4096xf32>
    tpu.vector_store %arg2[%swap3A_615, %swap3A_616], %swap3A_619 {strides = array<i32>} : memref<128x4096xf32, #tpu.memory_space<vmem>>, vector<1x4096xf32>,
    %slice3A_620 = vector.extract_strided_slice %concatenate3A {offsets = [0, 39], sizes = [1, 4096], strides = [1, 1]} : vector<1x4224xf32> to vector<1x4096xf32>
    %squeeze3A_621 = vector.shape_cast %slice3A_620 : vector<1x4096xf32> to vector<4096xf32>
    %swap3A_622 = arith.constant 88 : index
    %swap3A_623 = arith.constant 0 : index
    %swap3A_624 = vector.load %arg2[%swap3A_622, %swap3A_623] : memref<128x4096xf32, #tpu.memory_space<vmem>>, vector<1x4096xf32>
    %swap3A_625 = vector.shape_cast %swap3A_624 : vector<1x4096xf32> to vector<4096xf32>
    %swap3A_626 = vector.shape_cast %squeeze3A_621 : vector<4096xf32> to vector<1x4096xf32>
    tpu.vector_store %arg2[%swap3A_622, %swap3A_623], %swap3A_626 {strides = array<i32>} : memref<128x4096xf32, #tpu.memory_space<vmem>>, vector<1x4096xf32>,
    %slice3A_627 = vector.extract_strided_slice %concatenate3A {offsets = [0, 38], sizes = [1, 4096], strides = [1, 1]} : vector<1x4224xf32> to vector<1x4096xf32>
    %squeeze3A_628 = vector.shape_cast %slice3A_627 : vector<1x4096xf32> to vector<4096xf32>
    %swap3A_629 = arith.constant 89 : index
    %swap3A_630 = arith.constant 0 : index
    %swap3A_631 = vector.load %arg2[%swap3A_629, %swap3A_630] : memref<128x4096xf32, #tpu.memory_space<vmem>>, vector<1x4096xf32>
    %swap3A_632 = vector.shape_cast %swap3A_631 : vector<1x4096xf32> to vector<4096xf32>
    %swap3A_633 = vector.shape_cast %squeeze3A_628 : vector<4096xf32> to vector<1x4096xf32>
    tpu.vector_store %arg2[%swap3A_629, %swap3A_630], %swap3A_633 {strides = array<i32>} : memref<128x4096xf32, #tpu.memory_space<vmem>>, vector<1x4096xf32>,
    %slice3A_634 = vector.extract_strided_slice %concatenate3A {offsets = [0, 37], sizes = [1, 4096], strides = [1, 1]} : vector<1x4224xf32> to vector<1x4096xf32>
    %squeeze3A_635 = vector.shape_cast %slice3A_634 : vector<1x4096xf32> to vector<4096xf32>
    %swap3A_636 = arith.constant 90 : index
    %swap3A_637 = arith.constant 0 : index
    %swap3A_638 = vector.load %arg2[%swap3A_636, %swap3A_637] : memref<128x4096xf32, #tpu.memory_space<vmem>>, vector<1x4096xf32>
    %swap3A_639 = vector.shape_cast %swap3A_638 : vector<1x4096xf32> to vector<4096xf32>
    %swap3A_640 = vector.shape_cast %squeeze3A_635 : vector<4096xf32> to vector<1x4096xf32>
    tpu.vector_store %arg2[%swap3A_636, %swap3A_637], %swap3A_640 {strides = array<i32>} : memref<128x4096xf32, #tpu.memory_space<vmem>>, vector<1x4096xf32>,
    %slice3A_641 = vector.extract_strided_slice %concatenate3A {offsets = [0, 36], sizes = [1, 4096], strides = [1, 1]} : vector<1x4224xf32> to vector<1x4096xf32>
    %squeeze3A_642 = vector.shape_cast %slice3A_641 : vector<1x4096xf32> to vector<4096xf32>
    %swap3A_643 = arith.constant 91 : index
    %swap3A_644 = arith.constant 0 : index
    %swap3A_645 = vector.load %arg2[%swap3A_643, %swap3A_644] : memref<128x4096xf32, #tpu.memory_space<vmem>>, vector<1x4096xf32>
    %swap3A_646 = vector.shape_cast %swap3A_645 : vector<1x4096xf32> to vector<4096xf32>
    %swap3A_647 = vector.shape_cast %squeeze3A_642 : vector<4096xf32> to vector<1x4096xf32>
    tpu.vector_store %arg2[%swap3A_643, %swap3A_644], %swap3A_647 {strides = array<i32>} : memref<128x4096xf32, #tpu.memory_space<vmem>>, vector<1x4096xf32>,
    %slice3A_648 = vector.extract_strided_slice %concatenate3A {offsets = [0, 35], sizes = [1, 4096], strides = [1, 1]} : vector<1x4224xf32> to vector<1x4096xf32>
    %squeeze3A_649 = vector.shape_cast %slice3A_648 : vector<1x4096xf32> to vector<4096xf32>
    %swap3A_650 = arith.constant 92 : index
    %swap3A_651 = arith.constant 0 : index
    %swap3A_652 = vector.load %arg2[%swap3A_650, %swap3A_651] : memref<128x4096xf32, #tpu.memory_space<vmem>>, vector<1x4096xf32>
    %swap3A_653 = vector.shape_cast %swap3A_652 : vector<1x4096xf32> to vector<4096xf32>
    %swap3A_654 = vector.shape_cast %squeeze3A_649 : vector<4096xf32> to vector<1x4096xf32>
    tpu.vector_store %arg2[%swap3A_650, %swap3A_651], %swap3A_654 {strides = array<i32>} : memref<128x4096xf32, #tpu.memory_space<vmem>>, vector<1x4096xf32>,
    %slice3A_655 = vector.extract_strided_slice %concatenate3A {offsets = [0, 34], sizes = [1, 4096], strides = [1, 1]} : vector<1x4224xf32> to vector<1x4096xf32>
    %squeeze3A_656 = vector.shape_cast %slice3A_655 : vector<1x4096xf32> to vector<4096xf32>
    %swap3A_657 = arith.constant 93 : index
    %swap3A_658 = arith.constant 0 : index
    %swap3A_659 = vector.load %arg2[%swap3A_657, %swap3A_658] : memref<128x4096xf32, #tpu.memory_space<vmem>>, vector<1x4096xf32>
    %swap3A_660 = vector.shape_cast %swap3A_659 : vector<1x4096xf32> to vector<4096xf32>
    %swap3A_661 = vector.shape_cast %squeeze3A_656 : vector<4096xf32> to vector<1x4096xf32>
    tpu.vector_store %arg2[%swap3A_657, %swap3A_658], %swap3A_661 {strides = array<i32>} : memref<128x4096xf32, #tpu.memory_space<vmem>>, vector<1x4096xf32>,
    %slice3A_662 = vector.extract_strided_slice %concatenate3A {offsets = [0, 33], sizes = [1, 4096], strides = [1, 1]} : vector<1x4224xf32> to vector<1x4096xf32>
    %squeeze3A_663 = vector.shape_cast %slice3A_662 : vector<1x4096xf32> to vector<4096xf32>
    %swap3A_664 = arith.constant 94 : index
    %swap3A_665 = arith.constant 0 : index
    %swap3A_666 = vector.load %arg2[%swap3A_664, %swap3A_665] : memref<128x4096xf32, #tpu.memory_space<vmem>>, vector<1x4096xf32>
    %swap3A_667 = vector.shape_cast %swap3A_666 : vector<1x4096xf32> to vector<4096xf32>
    %swap3A_668 = vector.shape_cast %squeeze3A_663 : vector<4096xf32> to vector<1x4096xf32>
    tpu.vector_store %arg2[%swap3A_664, %swap3A_665], %swap3A_668 {strides = array<i32>} : memref<128x4096xf32, #tpu.memory_space<vmem>>, vector<1x4096xf32>,
    %slice3A_669 = vector.extract_strided_slice %concatenate3A {offsets = [0, 32], sizes = [1, 4096], strides = [1, 1]} : vector<1x4224xf32> to vector<1x4096xf32>
    %squeeze3A_670 = vector.shape_cast %slice3A_669 : vector<1x4096xf32> to vector<4096xf32>
    %swap3A_671 = arith.constant 95 : index
    %swap3A_672 = arith.constant 0 : index
    %swap3A_673 = vector.load %arg2[%swap3A_671, %swap3A_672] : memref<128x4096xf32, #tpu.memory_space<vmem>>, vector<1x4096xf32>
    %swap3A_674 = vector.shape_cast %swap3A_673 : vector<1x4096xf32> to vector<4096xf32>
    %swap3A_675 = vector.shape_cast %squeeze3A_670 : vector<4096xf32> to vector<1x4096xf32>
    tpu.vector_store %arg2[%swap3A_671, %swap3A_672], %swap3A_675 {strides = array<i32>} : memref<128x4096xf32, #tpu.memory_space<vmem>>, vector<1x4096xf32>,
    %slice3A_676 = vector.extract_strided_slice %concatenate3A {offsets = [0, 31], sizes = [1, 4096], strides = [1, 1]} : vector<1x4224xf32> to vector<1x4096xf32>
    %squeeze3A_677 = vector.shape_cast %slice3A_676 : vector<1x4096xf32> to vector<4096xf32>
    %swap3A_678 = arith.constant 96 : index
    %swap3A_679 = arith.constant 0 : index
    %swap3A_680 = vector.load %arg2[%swap3A_678, %swap3A_679] : memref<128x4096xf32, #tpu.memory_space<vmem>>, vector<1x4096xf32>
    %swap3A_681 = vector.shape_cast %swap3A_680 : vector<1x4096xf32> to vector<4096xf32>
    %swap3A_682 = vector.shape_cast %squeeze3A_677 : vector<4096xf32> to vector<1x4096xf32>
    tpu.vector_store %arg2[%swap3A_678, %swap3A_679], %swap3A_682 {strides = array<i32>} : memref<128x4096xf32, #tpu.memory_space<vmem>>, vector<1x4096xf32>,
    %slice3A_683 = vector.extract_strided_slice %concatenate3A {offsets = [0, 30], sizes = [1, 4096], strides = [1, 1]} : vector<1x4224xf32> to vector<1x4096xf32>
    %squeeze3A_684 = vector.shape_cast %slice3A_683 : vector<1x4096xf32> to vector<4096xf32>
    %swap3A_685 = arith.constant 97 : index
    %swap3A_686 = arith.constant 0 : index
    %swap3A_687 = vector.load %arg2[%swap3A_685, %swap3A_686] : memref<128x4096xf32, #tpu.memory_space<vmem>>, vector<1x4096xf32>
    %swap3A_688 = vector.shape_cast %swap3A_687 : vector<1x4096xf32> to vector<4096xf32>
    %swap3A_689 = vector.shape_cast %squeeze3A_684 : vector<4096xf32> to vector<1x4096xf32>
    tpu.vector_store %arg2[%swap3A_685, %swap3A_686], %swap3A_689 {strides = array<i32>} : memref<128x4096xf32, #tpu.memory_space<vmem>>, vector<1x4096xf32>,
    %slice3A_690 = vector.extract_strided_slice %concatenate3A {offsets = [0, 29], sizes = [1, 4096], strides = [1, 1]} : vector<1x4224xf32> to vector<1x4096xf32>
    %squeeze3A_691 = vector.shape_cast %slice3A_690 : vector<1x4096xf32> to vector<4096xf32>
    %swap3A_692 = arith.constant 98 : index
    %swap3A_693 = arith.constant 0 : index
    %swap3A_694 = vector.load %arg2[%swap3A_692, %swap3A_693] : memref<128x4096xf32, #tpu.memory_space<vmem>>, vector<1x4096xf32>
    %swap3A_695 = vector.shape_cast %swap3A_694 : vector<1x4096xf32> to vector<4096xf32>
    %swap3A_696 = vector.shape_cast %squeeze3A_691 : vector<4096xf32> to vector<1x4096xf32>
    tpu.vector_store %arg2[%swap3A_692, %swap3A_693], %swap3A_696 {strides = array<i32>} : memref<128x4096xf32, #tpu.memory_space<vmem>>, vector<1x4096xf32>,
    %slice3A_697 = vector.extract_strided_slice %concatenate3A {offsets = [0, 28], sizes = [1, 4096], strides = [1, 1]} : vector<1x4224xf32> to vector<1x4096xf32>
    %squeeze3A_698 = vector.shape_cast %slice3A_697 : vector<1x4096xf32> to vector<4096xf32>
    %swap3A_699 = arith.constant 99 : index
    %swap3A_700 = arith.constant 0 : index
    %swap3A_701 = vector.load %arg2[%swap3A_699, %swap3A_700] : memref<128x4096xf32, #tpu.memory_space<vmem>>, vector<1x4096xf32>
    %swap3A_702 = vector.shape_cast %swap3A_701 : vector<1x4096xf32> to vector<4096xf32>
    %swap3A_703 = vector.shape_cast %squeeze3A_698 : vector<4096xf32> to vector<1x4096xf32>
    tpu.vector_store %arg2[%swap3A_699, %swap3A_700], %swap3A_703 {strides = array<i32>} : memref<128x4096xf32, #tpu.memory_space<vmem>>, vector<1x4096xf32>,
    %slice3A_704 = vector.extract_strided_slice %concatenate3A {offsets = [0, 27], sizes = [1, 4096], strides = [1, 1]} : vector<1x4224xf32> to vector<1x4096xf32>
    %squeeze3A_705 = vector.shape_cast %slice3A_704 : vector<1x4096xf32> to vector<4096xf32>
    %swap3A_706 = arith.constant 100 : index
    %swap3A_707 = arith.constant 0 : index
    %swap3A_708 = vector.load %arg2[%swap3A_706, %swap3A_707] : memref<128x4096xf32, #tpu.memory_space<vmem>>, vector<1x4096xf32>
    %swap3A_709 = vector.shape_cast %swap3A_708 : vector<1x4096xf32> to vector<4096xf32>
    %swap3A_710 = vector.shape_cast %squeeze3A_705 : vector<4096xf32> to vector<1x4096xf32>
    tpu.vector_store %arg2[%swap3A_706, %swap3A_707], %swap3A_710 {strides = array<i32>} : memref<128x4096xf32, #tpu.memory_space<vmem>>, vector<1x4096xf32>,
    %slice3A_711 = vector.extract_strided_slice %concatenate3A {offsets = [0, 26], sizes = [1, 4096], strides = [1, 1]} : vector<1x4224xf32> to vector<1x4096xf32>
    %squeeze3A_712 = vector.shape_cast %slice3A_711 : vector<1x4096xf32> to vector<4096xf32>
    %swap3A_713 = arith.constant 101 : index
    %swap3A_714 = arith.constant 0 : index
    %swap3A_715 = vector.load %arg2[%swap3A_713, %swap3A_714] : memref<128x4096xf32, #tpu.memory_space<vmem>>, vector<1x4096xf32>
    %swap3A_716 = vector.shape_cast %swap3A_715 : vector<1x4096xf32> to vector<4096xf32>
    %swap3A_717 = vector.shape_cast %squeeze3A_712 : vector<4096xf32> to vector<1x4096xf32>
    tpu.vector_store %arg2[%swap3A_713, %swap3A_714], %swap3A_717 {strides = array<i32>} : memref<128x4096xf32, #tpu.memory_space<vmem>>, vector<1x4096xf32>,
    %slice3A_718 = vector.extract_strided_slice %concatenate3A {offsets = [0, 25], sizes = [1, 4096], strides = [1, 1]} : vector<1x4224xf32> to vector<1x4096xf32>
    %squeeze3A_719 = vector.shape_cast %slice3A_718 : vector<1x4096xf32> to vector<4096xf32>
    %swap3A_720 = arith.constant 102 : index
    %swap3A_721 = arith.constant 0 : index
    %swap3A_722 = vector.load %arg2[%swap3A_720, %swap3A_721] : memref<128x4096xf32, #tpu.memory_space<vmem>>, vector<1x4096xf32>
    %swap3A_723 = vector.shape_cast %swap3A_722 : vector<1x4096xf32> to vector<4096xf32>
    %swap3A_724 = vector.shape_cast %squeeze3A_719 : vector<4096xf32> to vector<1x4096xf32>
    tpu.vector_store %arg2[%swap3A_720, %swap3A_721], %swap3A_724 {strides = array<i32>} : memref<128x4096xf32, #tpu.memory_space<vmem>>, vector<1x4096xf32>,
    %slice3A_725 = vector.extract_strided_slice %concatenate3A {offsets = [0, 24], sizes = [1, 4096], strides = [1, 1]} : vector<1x4224xf32> to vector<1x4096xf32>
    %squeeze3A_726 = vector.shape_cast %slice3A_725 : vector<1x4096xf32> to vector<4096xf32>
    %swap3A_727 = arith.constant 103 : index
    %swap3A_728 = arith.constant 0 : index
    %swap3A_729 = vector.load %arg2[%swap3A_727, %swap3A_728] : memref<128x4096xf32, #tpu.memory_space<vmem>>, vector<1x4096xf32>
    %swap3A_730 = vector.shape_cast %swap3A_729 : vector<1x4096xf32> to vector<4096xf32>
    %swap3A_731 = vector.shape_cast %squeeze3A_726 : vector<4096xf32> to vector<1x4096xf32>
    tpu.vector_store %arg2[%swap3A_727, %swap3A_728], %swap3A_731 {strides = array<i32>} : memref<128x4096xf32, #tpu.memory_space<vmem>>, vector<1x4096xf32>,
    %slice3A_732 = vector.extract_strided_slice %concatenate3A {offsets = [0, 23], sizes = [1, 4096], strides = [1, 1]} : vector<1x4224xf32> to vector<1x4096xf32>
    %squeeze3A_733 = vector.shape_cast %slice3A_732 : vector<1x4096xf32> to vector<4096xf32>
    %swap3A_734 = arith.constant 104 : index
    %swap3A_735 = arith.constant 0 : index
    %swap3A_736 = vector.load %arg2[%swap3A_734, %swap3A_735] : memref<128x4096xf32, #tpu.memory_space<vmem>>, vector<1x4096xf32>
    %swap3A_737 = vector.shape_cast %swap3A_736 : vector<1x4096xf32> to vector<4096xf32>
    %swap3A_738 = vector.shape_cast %squeeze3A_733 : vector<4096xf32> to vector<1x4096xf32>
    tpu.vector_store %arg2[%swap3A_734, %swap3A_735], %swap3A_738 {strides = array<i32>} : memref<128x4096xf32, #tpu.memory_space<vmem>>, vector<1x4096xf32>,
    %slice3A_739 = vector.extract_strided_slice %concatenate3A {offsets = [0, 22], sizes = [1, 4096], strides = [1, 1]} : vector<1x4224xf32> to vector<1x4096xf32>
    %squeeze3A_740 = vector.shape_cast %slice3A_739 : vector<1x4096xf32> to vector<4096xf32>
    %swap3A_741 = arith.constant 105 : index
    %swap3A_742 = arith.constant 0 : index
    %swap3A_743 = vector.load %arg2[%swap3A_741, %swap3A_742] : memref<128x4096xf32, #tpu.memory_space<vmem>>, vector<1x4096xf32>
    %swap3A_744 = vector.shape_cast %swap3A_743 : vector<1x4096xf32> to vector<4096xf32>
    %swap3A_745 = vector.shape_cast %squeeze3A_740 : vector<4096xf32> to vector<1x4096xf32>
    tpu.vector_store %arg2[%swap3A_741, %swap3A_742], %swap3A_745 {strides = array<i32>} : memref<128x4096xf32, #tpu.memory_space<vmem>>, vector<1x4096xf32>,
    %slice3A_746 = vector.extract_strided_slice %concatenate3A {offsets = [0, 21], sizes = [1, 4096], strides = [1, 1]} : vector<1x4224xf32> to vector<1x4096xf32>
    %squeeze3A_747 = vector.shape_cast %slice3A_746 : vector<1x4096xf32> to vector<4096xf32>
    %swap3A_748 = arith.constant 106 : index
    %swap3A_749 = arith.constant 0 : index
    %swap3A_750 = vector.load %arg2[%swap3A_748, %swap3A_749] : memref<128x4096xf32, #tpu.memory_space<vmem>>, vector<1x4096xf32>
    %swap3A_751 = vector.shape_cast %swap3A_750 : vector<1x4096xf32> to vector<4096xf32>
    %swap3A_752 = vector.shape_cast %squeeze3A_747 : vector<4096xf32> to vector<1x4096xf32>
    tpu.vector_store %arg2[%swap3A_748, %swap3A_749], %swap3A_752 {strides = array<i32>} : memref<128x4096xf32, #tpu.memory_space<vmem>>, vector<1x4096xf32>,
    %slice3A_753 = vector.extract_strided_slice %concatenate3A {offsets = [0, 20], sizes = [1, 4096], strides = [1, 1]} : vector<1x4224xf32> to vector<1x4096xf32>
    %squeeze3A_754 = vector.shape_cast %slice3A_753 : vector<1x4096xf32> to vector<4096xf32>
    %swap3A_755 = arith.constant 107 : index
    %swap3A_756 = arith.constant 0 : index
    %swap3A_757 = vector.load %arg2[%swap3A_755, %swap3A_756] : memref<128x4096xf32, #tpu.memory_space<vmem>>, vector<1x4096xf32>
    %swap3A_758 = vector.shape_cast %swap3A_757 : vector<1x4096xf32> to vector<4096xf32>
    %swap3A_759 = vector.shape_cast %squeeze3A_754 : vector<4096xf32> to vector<1x4096xf32>
    tpu.vector_store %arg2[%swap3A_755, %swap3A_756], %swap3A_759 {strides = array<i32>} : memref<128x4096xf32, #tpu.memory_space<vmem>>, vector<1x4096xf32>,
    %slice3A_760 = vector.extract_strided_slice %concatenate3A {offsets = [0, 19], sizes = [1, 4096], strides = [1, 1]} : vector<1x4224xf32> to vector<1x4096xf32>
    %squeeze3A_761 = vector.shape_cast %slice3A_760 : vector<1x4096xf32> to vector<4096xf32>
    %swap3A_762 = arith.constant 108 : index
    %swap3A_763 = arith.constant 0 : index
    %swap3A_764 = vector.load %arg2[%swap3A_762, %swap3A_763] : memref<128x4096xf32, #tpu.memory_space<vmem>>, vector<1x4096xf32>
    %swap3A_765 = vector.shape_cast %swap3A_764 : vector<1x4096xf32> to vector<4096xf32>
    %swap3A_766 = vector.shape_cast %squeeze3A_761 : vector<4096xf32> to vector<1x4096xf32>
    tpu.vector_store %arg2[%swap3A_762, %swap3A_763], %swap3A_766 {strides = array<i32>} : memref<128x4096xf32, #tpu.memory_space<vmem>>, vector<1x4096xf32>,
    %slice3A_767 = vector.extract_strided_slice %concatenate3A {offsets = [0, 18], sizes = [1, 4096], strides = [1, 1]} : vector<1x4224xf32> to vector<1x4096xf32>
    %squeeze3A_768 = vector.shape_cast %slice3A_767 : vector<1x4096xf32> to vector<4096xf32>
    %swap3A_769 = arith.constant 109 : index
    %swap3A_770 = arith.constant 0 : index
    %swap3A_771 = vector.load %arg2[%swap3A_769, %swap3A_770] : memref<128x4096xf32, #tpu.memory_space<vmem>>, vector<1x4096xf32>
    %swap3A_772 = vector.shape_cast %swap3A_771 : vector<1x4096xf32> to vector<4096xf32>
    %swap3A_773 = vector.shape_cast %squeeze3A_768 : vector<4096xf32> to vector<1x4096xf32>
    tpu.vector_store %arg2[%swap3A_769, %swap3A_770], %swap3A_773 {strides = array<i32>} : memref<128x4096xf32, #tpu.memory_space<vmem>>, vector<1x4096xf32>,
    %slice3A_774 = vector.extract_strided_slice %concatenate3A {offsets = [0, 17], sizes = [1, 4096], strides = [1, 1]} : vector<1x4224xf32> to vector<1x4096xf32>
    %squeeze3A_775 = vector.shape_cast %slice3A_774 : vector<1x4096xf32> to vector<4096xf32>
    %swap3A_776 = arith.constant 110 : index
    %swap3A_777 = arith.constant 0 : index
    %swap3A_778 = vector.load %arg2[%swap3A_776, %swap3A_777] : memref<128x4096xf32, #tpu.memory_space<vmem>>, vector<1x4096xf32>
    %swap3A_779 = vector.shape_cast %swap3A_778 : vector<1x4096xf32> to vector<4096xf32>
    %swap3A_780 = vector.shape_cast %squeeze3A_775 : vector<4096xf32> to vector<1x4096xf32>
    tpu.vector_store %arg2[%swap3A_776, %swap3A_777], %swap3A_780 {strides = array<i32>} : memref<128x4096xf32, #tpu.memory_space<vmem>>, vector<1x4096xf32>,
    %slice3A_781 = vector.extract_strided_slice %concatenate3A {offsets = [0, 16], sizes = [1, 4096], strides = [1, 1]} : vector<1x4224xf32> to vector<1x4096xf32>
    %squeeze3A_782 = vector.shape_cast %slice3A_781 : vector<1x4096xf32> to vector<4096xf32>
    %swap3A_783 = arith.constant 111 : index
    %swap3A_784 = arith.constant 0 : index
    %swap3A_785 = vector.load %arg2[%swap3A_783, %swap3A_784] : memref<128x4096xf32, #tpu.memory_space<vmem>>, vector<1x4096xf32>
    %swap3A_786 = vector.shape_cast %swap3A_785 : vector<1x4096xf32> to vector<4096xf32>
    %swap3A_787 = vector.shape_cast %squeeze3A_782 : vector<4096xf32> to vector<1x4096xf32>
    tpu.vector_store %arg2[%swap3A_783, %swap3A_784], %swap3A_787 {strides = array<i32>} : memref<128x4096xf32, #tpu.memory_space<vmem>>, vector<1x4096xf32>,
    %slice3A_788 = vector.extract_strided_slice %concatenate3A {offsets = [0, 15], sizes = [1, 4096], strides = [1, 1]} : vector<1x4224xf32> to vector<1x4096xf32>
    %squeeze3A_789 = vector.shape_cast %slice3A_788 : vector<1x4096xf32> to vector<4096xf32>
    %swap3A_790 = arith.constant 112 : index
    %swap3A_791 = arith.constant 0 : index
    %swap3A_792 = vector.load %arg2[%swap3A_790, %swap3A_791] : memref<128x4096xf32, #tpu.memory_space<vmem>>, vector<1x4096xf32>
    %swap3A_793 = vector.shape_cast %swap3A_792 : vector<1x4096xf32> to vector<4096xf32>
    %swap3A_794 = vector.shape_cast %squeeze3A_789 : vector<4096xf32> to vector<1x4096xf32>
    tpu.vector_store %arg2[%swap3A_790, %swap3A_791], %swap3A_794 {strides = array<i32>} : memref<128x4096xf32, #tpu.memory_space<vmem>>, vector<1x4096xf32>,
    %slice3A_795 = vector.extract_strided_slice %concatenate3A {offsets = [0, 14], sizes = [1, 4096], strides = [1, 1]} : vector<1x4224xf32> to vector<1x4096xf32>
    %squeeze3A_796 = vector.shape_cast %slice3A_795 : vector<1x4096xf32> to vector<4096xf32>
    %swap3A_797 = arith.constant 113 : index
    %swap3A_798 = arith.constant 0 : index
    %swap3A_799 = vector.load %arg2[%swap3A_797, %swap3A_798] : memref<128x4096xf32, #tpu.memory_space<vmem>>, vector<1x4096xf32>
    %swap3A_800 = vector.shape_cast %swap3A_799 : vector<1x4096xf32> to vector<4096xf32>
    %swap3A_801 = vector.shape_cast %squeeze3A_796 : vector<4096xf32> to vector<1x4096xf32>
    tpu.vector_store %arg2[%swap3A_797, %swap3A_798], %swap3A_801 {strides = array<i32>} : memref<128x4096xf32, #tpu.memory_space<vmem>>, vector<1x4096xf32>,
    %slice3A_802 = vector.extract_strided_slice %concatenate3A {offsets = [0, 13], sizes = [1, 4096], strides = [1, 1]} : vector<1x4224xf32> to vector<1x4096xf32>
    %squeeze3A_803 = vector.shape_cast %slice3A_802 : vector<1x4096xf32> to vector<4096xf32>
    %swap3A_804 = arith.constant 114 : index
    %swap3A_805 = arith.constant 0 : index
    %swap3A_806 = vector.load %arg2[%swap3A_804, %swap3A_805] : memref<128x4096xf32, #tpu.memory_space<vmem>>, vector<1x4096xf32>
    %swap3A_807 = vector.shape_cast %swap3A_806 : vector<1x4096xf32> to vector<4096xf32>
    %swap3A_808 = vector.shape_cast %squeeze3A_803 : vector<4096xf32> to vector<1x4096xf32>
    tpu.vector_store %arg2[%swap3A_804, %swap3A_805], %swap3A_808 {strides = array<i32>} : memref<128x4096xf32, #tpu.memory_space<vmem>>, vector<1x4096xf32>,
    %slice3A_809 = vector.extract_strided_slice %concatenate3A {offsets = [0, 12], sizes = [1, 4096], strides = [1, 1]} : vector<1x4224xf32> to vector<1x4096xf32>
    %squeeze3A_810 = vector.shape_cast %slice3A_809 : vector<1x4096xf32> to vector<4096xf32>
    %swap3A_811 = arith.constant 115 : index
    %swap3A_812 = arith.constant 0 : index
    %swap3A_813 = vector.load %arg2[%swap3A_811, %swap3A_812] : memref<128x4096xf32, #tpu.memory_space<vmem>>, vector<1x4096xf32>
    %swap3A_814 = vector.shape_cast %swap3A_813 : vector<1x4096xf32> to vector<4096xf32>
    %swap3A_815 = vector.shape_cast %squeeze3A_810 : vector<4096xf32> to vector<1x4096xf32>
    tpu.vector_store %arg2[%swap3A_811, %swap3A_812], %swap3A_815 {strides = array<i32>} : memref<128x4096xf32, #tpu.memory_space<vmem>>, vector<1x4096xf32>,
    %slice3A_816 = vector.extract_strided_slice %concatenate3A {offsets = [0, 11], sizes = [1, 4096], strides = [1, 1]} : vector<1x4224xf32> to vector<1x4096xf32>
    %squeeze3A_817 = vector.shape_cast %slice3A_816 : vector<1x4096xf32> to vector<4096xf32>
    %swap3A_818 = arith.constant 116 : index
    %swap3A_819 = arith.constant 0 : index
    %swap3A_820 = vector.load %arg2[%swap3A_818, %swap3A_819] : memref<128x4096xf32, #tpu.memory_space<vmem>>, vector<1x4096xf32>
    %swap3A_821 = vector.shape_cast %swap3A_820 : vector<1x4096xf32> to vector<4096xf32>
    %swap3A_822 = vector.shape_cast %squeeze3A_817 : vector<4096xf32> to vector<1x4096xf32>
    tpu.vector_store %arg2[%swap3A_818, %swap3A_819], %swap3A_822 {strides = array<i32>} : memref<128x4096xf32, #tpu.memory_space<vmem>>, vector<1x4096xf32>,
    %slice3A_823 = vector.extract_strided_slice %concatenate3A {offsets = [0, 10], sizes = [1, 4096], strides = [1, 1]} : vector<1x4224xf32> to vector<1x4096xf32>
    %squeeze3A_824 = vector.shape_cast %slice3A_823 : vector<1x4096xf32> to vector<4096xf32>
    %swap3A_825 = arith.constant 117 : index
    %swap3A_826 = arith.constant 0 : index
    %swap3A_827 = vector.load %arg2[%swap3A_825, %swap3A_826] : memref<128x4096xf32, #tpu.memory_space<vmem>>, vector<1x4096xf32>
    %swap3A_828 = vector.shape_cast %swap3A_827 : vector<1x4096xf32> to vector<4096xf32>
    %swap3A_829 = vector.shape_cast %squeeze3A_824 : vector<4096xf32> to vector<1x4096xf32>
    tpu.vector_store %arg2[%swap3A_825, %swap3A_826], %swap3A_829 {strides = array<i32>} : memref<128x4096xf32, #tpu.memory_space<vmem>>, vector<1x4096xf32>,
    %slice3A_830 = vector.extract_strided_slice %concatenate3A {offsets = [0, 9], sizes = [1, 4096], strides = [1, 1]} : vector<1x4224xf32> to vector<1x4096xf32>
    %squeeze3A_831 = vector.shape_cast %slice3A_830 : vector<1x4096xf32> to vector<4096xf32>
    %swap3A_832 = arith.constant 118 : index
    %swap3A_833 = arith.constant 0 : index
    %swap3A_834 = vector.load %arg2[%swap3A_832, %swap3A_833] : memref<128x4096xf32, #tpu.memory_space<vmem>>, vector<1x4096xf32>
    %swap3A_835 = vector.shape_cast %swap3A_834 : vector<1x4096xf32> to vector<4096xf32>
    %swap3A_836 = vector.shape_cast %squeeze3A_831 : vector<4096xf32> to vector<1x4096xf32>
    tpu.vector_store %arg2[%swap3A_832, %swap3A_833], %swap3A_836 {strides = array<i32>} : memref<128x4096xf32, #tpu.memory_space<vmem>>, vector<1x4096xf32>,
    %slice3A_837 = vector.extract_strided_slice %concatenate3A {offsets = [0, 8], sizes = [1, 4096], strides = [1, 1]} : vector<1x4224xf32> to vector<1x4096xf32>
    %squeeze3A_838 = vector.shape_cast %slice3A_837 : vector<1x4096xf32> to vector<4096xf32>
    %swap3A_839 = arith.constant 119 : index
    %swap3A_840 = arith.constant 0 : index
    %swap3A_841 = vector.load %arg2[%swap3A_839, %swap3A_840] : memref<128x4096xf32, #tpu.memory_space<vmem>>, vector<1x4096xf32>
    %swap3A_842 = vector.shape_cast %swap3A_841 : vector<1x4096xf32> to vector<4096xf32>
    %swap3A_843 = vector.shape_cast %squeeze3A_838 : vector<4096xf32> to vector<1x4096xf32>
    tpu.vector_store %arg2[%swap3A_839, %swap3A_840], %swap3A_843 {strides = array<i32>} : memref<128x4096xf32, #tpu.memory_space<vmem>>, vector<1x4096xf32>,
    %slice3A_844 = vector.extract_strided_slice %concatenate3A {offsets = [0, 7], sizes = [1, 4096], strides = [1, 1]} : vector<1x4224xf32> to vector<1x4096xf32>
    %squeeze3A_845 = vector.shape_cast %slice3A_844 : vector<1x4096xf32> to vector<4096xf32>
    %swap3A_846 = arith.constant 120 : index
    %swap3A_847 = arith.constant 0 : index
    %swap3A_848 = vector.load %arg2[%swap3A_846, %swap3A_847] : memref<128x4096xf32, #tpu.memory_space<vmem>>, vector<1x4096xf32>
    %swap3A_849 = vector.shape_cast %swap3A_848 : vector<1x4096xf32> to vector<4096xf32>
    %swap3A_850 = vector.shape_cast %squeeze3A_845 : vector<4096xf32> to vector<1x4096xf32>
    tpu.vector_store %arg2[%swap3A_846, %swap3A_847], %swap3A_850 {strides = array<i32>} : memref<128x4096xf32, #tpu.memory_space<vmem>>, vector<1x4096xf32>,
    %slice3A_851 = vector.extract_strided_slice %concatenate3A {offsets = [0, 6], sizes = [1, 4096], strides = [1, 1]} : vector<1x4224xf32> to vector<1x4096xf32>
    %squeeze3A_852 = vector.shape_cast %slice3A_851 : vector<1x4096xf32> to vector<4096xf32>
    %swap3A_853 = arith.constant 121 : index
    %swap3A_854 = arith.constant 0 : index
    %swap3A_855 = vector.load %arg2[%swap3A_853, %swap3A_854] : memref<128x4096xf32, #tpu.memory_space<vmem>>, vector<1x4096xf32>
    %swap3A_856 = vector.shape_cast %swap3A_855 : vector<1x4096xf32> to vector<4096xf32>
    %swap3A_857 = vector.shape_cast %squeeze3A_852 : vector<4096xf32> to vector<1x4096xf32>
    tpu.vector_store %arg2[%swap3A_853, %swap3A_854], %swap3A_857 {strides = array<i32>} : memref<128x4096xf32, #tpu.memory_space<vmem>>, vector<1x4096xf32>,
    %slice3A_858 = vector.extract_strided_slice %concatenate3A {offsets = [0, 5], sizes = [1, 4096], strides = [1, 1]} : vector<1x4224xf32> to vector<1x4096xf32>
    %squeeze3A_859 = vector.shape_cast %slice3A_858 : vector<1x4096xf32> to vector<4096xf32>
    %swap3A_860 = arith.constant 122 : index
    %swap3A_861 = arith.constant 0 : index
    %swap3A_862 = vector.load %arg2[%swap3A_860, %swap3A_861] : memref<128x4096xf32, #tpu.memory_space<vmem>>, vector<1x4096xf32>
    %swap3A_863 = vector.shape_cast %swap3A_862 : vector<1x4096xf32> to vector<4096xf32>
    %swap3A_864 = vector.shape_cast %squeeze3A_859 : vector<4096xf32> to vector<1x4096xf32>
    tpu.vector_store %arg2[%swap3A_860, %swap3A_861], %swap3A_864 {strides = array<i32>} : memref<128x4096xf32, #tpu.memory_space<vmem>>, vector<1x4096xf32>,
    %slice3A_865 = vector.extract_strided_slice %concatenate3A {offsets = [0, 4], sizes = [1, 4096], strides = [1, 1]} : vector<1x4224xf32> to vector<1x4096xf32>
    %squeeze3A_866 = vector.shape_cast %slice3A_865 : vector<1x4096xf32> to vector<4096xf32>
    %swap3A_867 = arith.constant 123 : index
    %swap3A_868 = arith.constant 0 : index
    %swap3A_869 = vector.load %arg2[%swap3A_867, %swap3A_868] : memref<128x4096xf32, #tpu.memory_space<vmem>>, vector<1x4096xf32>
    %swap3A_870 = vector.shape_cast %swap3A_869 : vector<1x4096xf32> to vector<4096xf32>
    %swap3A_871 = vector.shape_cast %squeeze3A_866 : vector<4096xf32> to vector<1x4096xf32>
    tpu.vector_store %arg2[%swap3A_867, %swap3A_868], %swap3A_871 {strides = array<i32>} : memref<128x4096xf32, #tpu.memory_space<vmem>>, vector<1x4096xf32>,
    %slice3A_872 = vector.extract_strided_slice %concatenate3A {offsets = [0, 3], sizes = [1, 4096], strides = [1, 1]} : vector<1x4224xf32> to vector<1x4096xf32>
    %squeeze3A_873 = vector.shape_cast %slice3A_872 : vector<1x4096xf32> to vector<4096xf32>
    %swap3A_874 = arith.constant 124 : index
    %swap3A_875 = arith.constant 0 : index
    %swap3A_876 = vector.load %arg2[%swap3A_874, %swap3A_875] : memref<128x4096xf32, #tpu.memory_space<vmem>>, vector<1x4096xf32>
    %swap3A_877 = vector.shape_cast %swap3A_876 : vector<1x4096xf32> to vector<4096xf32>
    %swap3A_878 = vector.shape_cast %squeeze3A_873 : vector<4096xf32> to vector<1x4096xf32>
    tpu.vector_store %arg2[%swap3A_874, %swap3A_875], %swap3A_878 {strides = array<i32>} : memref<128x4096xf32, #tpu.memory_space<vmem>>, vector<1x4096xf32>,
    %slice3A_879 = vector.extract_strided_slice %concatenate3A {offsets = [0, 2], sizes = [1, 4096], strides = [1, 1]} : vector<1x4224xf32> to vector<1x4096xf32>
    %squeeze3A_880 = vector.shape_cast %slice3A_879 : vector<1x4096xf32> to vector<4096xf32>
    %swap3A_881 = arith.constant 125 : index
    %swap3A_882 = arith.constant 0 : index
    %swap3A_883 = vector.load %arg2[%swap3A_881, %swap3A_882] : memref<128x4096xf32, #tpu.memory_space<vmem>>, vector<1x4096xf32>
    %swap3A_884 = vector.shape_cast %swap3A_883 : vector<1x4096xf32> to vector<4096xf32>
    %swap3A_885 = vector.shape_cast %squeeze3A_880 : vector<4096xf32> to vector<1x4096xf32>
    tpu.vector_store %arg2[%swap3A_881, %swap3A_882], %swap3A_885 {strides = array<i32>} : memref<128x4096xf32, #tpu.memory_space<vmem>>, vector<1x4096xf32>,
    %slice3A_886 = vector.extract_strided_slice %concatenate3A {offsets = [0, 1], sizes = [1, 4096], strides = [1, 1]} : vector<1x4224xf32> to vector<1x4096xf32>
    %squeeze3A_887 = vector.shape_cast %slice3A_886 : vector<1x4096xf32> to vector<4096xf32>
    %swap3A_888 = arith.constant 126 : index
    %swap3A_889 = arith.constant 0 : index
    %swap3A_890 = vector.load %arg2[%swap3A_888, %swap3A_889] : memref<128x4096xf32, #tpu.memory_space<vmem>>, vector<1x4096xf32>
    %swap3A_891 = vector.shape_cast %swap3A_890 : vector<1x4096xf32> to vector<4096xf32>
    %swap3A_892 = vector.shape_cast %squeeze3A_887 : vector<4096xf32> to vector<1x4096xf32>
    tpu.vector_store %arg2[%swap3A_888, %swap3A_889], %swap3A_892 {strides = array<i32>} : memref<128x4096xf32, #tpu.memory_space<vmem>>, vector<1x4096xf32>,
    %slice3A_893 = vector.extract_strided_slice %concatenate3A {offsets = [0, 0], sizes = [1, 4096], strides = [1, 1]} : vector<1x4224xf32> to vector<1x4096xf32>
    %squeeze3A_894 = vector.shape_cast %slice3A_893 : vector<1x4096xf32> to vector<4096xf32>
    %swap3A_895 = arith.constant 127 : index
    %swap3A_896 = arith.constant 0 : index
    %swap3A_897 = vector.load %arg2[%swap3A_895, %swap3A_896] : memref<128x4096xf32, #tpu.memory_space<vmem>>, vector<1x4096xf32>
    %swap3A_898 = vector.shape_cast %swap3A_897 : vector<1x4096xf32> to vector<4096xf32>
    %swap3A_899 = vector.shape_cast %squeeze3A_894 : vector<4096xf32> to vector<1x4096xf32>
    tpu.vector_store %arg2[%swap3A_895, %swap3A_896], %swap3A_899 {strides = array<i32>} : memref<128x4096xf32, #tpu.memory_space<vmem>>, vector<1x4096xf32>,
    return
  }
}

</mosaic_0001>

<sc_bundles>
// kernel: kernel.4.cloned.1.call-start
scs
__scs_entry_jumppad:
0x0: {  	(pc) =	sbr.rel $0x88, $3  }
0x1: {  	(tag) =	ssettag $0x0;
	lr =	simm.s32 $0x1  }
0x2: {  	[smem:$0x3F9F] =	sst lr;
	_ =	strace $0xD0000000  }
0x3: {  	_ = 	snop  }
0x4: {  	_ = 	snop  }
0x5: {  	_ = 	snop  }
0x6: {  	_ = 	snop  }
0x7: {  	_ = 	snop  }
__scs_overlays_trampoline_lowered:
0x8: {  	[smem:$0x3FAE] =	sst s0  }
0x9: {  	[smem:$0x3FAF] =	sst s1  }
0xa: {  	[smem:$0x3FB0] =	sst s2  }
0xb: {  	[smem:$0x3FB1] =	sst s3  }
0xc: {  	[smem:$0x3FB2] =	sst s4  }
0xd: {  	[smem:$0x3FB3] =	sst s5  }
0xe: {  	[smem:$0x3FB4] =	sst s6  }
0xf: {  	[smem:$0x3FB5] =	sst s7  }
0x10: {  	[smem:$0x3FB6] =	sst s8  }
0x11: {  	[smem:$0x3FB7] =	sst s9;
	s0 =	simm.s32 @!p0 $0x0  }
0x12: {  	s1 =	sld [smem:$0x3F9D];
	s0 =	simm.s32 @p0 $0x1  }
0x13: {  	[smem:$0x3FB8] =	sst s0;
	s0 =	simm.s32 @!p1 $0x0  }
0x14: {  	s2 =	sld [smem:$0x3F9C];
	s0 =	simm.s32 @p1 $0x1  }
0x15: {  	[smem:$0x3FB9] =	sst s0;
	s0 =	simm.s32 @!p2 $0x0  }
0x16: {  	s3 =	sld [smem:$0x3FDB];
	s0 =	simm.s32 @p2 $0x1  }
0x17: {  	s4 =	simm.s32 $0x1BF5;
	[smem:$0x3FBB] =	sst s0  }
0x18: {  	s0 =	sld [smem:$0x3F9E];
	_ =	swait.ge [sflag:s4], $0x0  }
0x19: {  	s7 =	sld [smem:$0x3F9F]  }
0x1a: {  	s8 =	sadd.s32 $0xFFFFE003, lr  }
0x1b: {  	s9 =	sadd.s32 $0xFFFFFEF7, lr;
	s5 =	simm.s32 $0xFFFFFFFF;
	p2 =	slt.u32 s8, $0xFFFFF086  }
0x1c: {  	p1 =	slt.u32 s9, $0xF7A;
	s5 =	simm.s32 @!p2 $0x0  }
0x1d: {  	s5 =	simm.s32 @p1 $0x1;
	p0 =	seq.s32 s7, s2  }
0x1e: {  	s7 =	smul.u32 @!p0 $0xF7A, s2;
	p2 =	seq.s32 @!p0 s5, $0x0  }
0x1f: {  	s9 =	smul.u32 $0xF7A, s1;
	s8 =	simm.s32 @!p0 $0x1BF5;
	p2 =	por !p2, p0  }
0x20: {  	[sflag:s8] =	ssyncset.s32 @!p0 $0xFFFFF086;
	s6 =	sadd.s32 @!p0 s3, s7;
	s7 =	simm.s32 @!p0 $0x108  }
0x21: {  	s3 =	sadd.s32 s3, s9;
	s6 =	sadd.s32 @!p0 $0x88, s6;
	s7 =	simm.s32 @p2 $0x1082  }
0x22: {  	[simem:s7], [sflag:s8] =	dma.local @!p0 [hbm:s6], $0xF7A  }
0x23: {  	s9 =	sor.u32 $0xD0000000, s2;
	s6 =	simm.s32 $0x108;
	_ =	swait.ge @!p0 [sflag:s8], $0x0  }
0x24: {  	s3 =	sadd.s32 $0x88, s3;
	s6 =	simm.s32 @!p1 $0x1082;
	[sflag:s4] =	ssyncset.s32 $0xFFFFF086  }
0x25: {  	[simem:s6], [sflag:s4] =	dma.local [hbm:s3], $0xF7A  }
0x26: {  	[smem:$0x3F9F] =	sst s1;
	(tag) =	ssettag s2;
	_ =	strace s9  }
0x27: {  	s1 =	sld [smem:$0x3FAF]  }
0x28: {  	s2 =	sld [smem:$0x3FB0]  }
0x29: {  	s4 =	sld [smem:$0x3FB2]  }
0x2a: {  	p0 =	seq.s32 s5, $0x0;
	s5 =	sld [smem:$0x3FB3]  }
0x2b: {  	s6 =	sld [smem:$0x3FB4]  }
0x2c: {  	s7 =	sld [smem:$0x3FB5]  }
0x2d: {  	s3 =	simm.s32 $0x108;
	s8 =	sld [smem:$0x3FB6]  }
0x2e: {  	s3 =	simm.s32 @!p0 $0x1082;
	s9 =	sld [smem:$0x3FB7]  }
0x2f: {  	lr =	sadd.s32 s0, s3;
	s0 =	sld [smem:$0x3FAE]  }
0x30: {  	s3 =	sld [smem:$0x3FB1]  }
0x31: {  	[smem:$0x3FBA] =	sst s10  }
0x32: {  	s10 =	sld [smem:$0x3FB8];
	_ =	sdelay $0x3  }
0x33: {  	p0 =	seq.s32 s10, $0x1;
	s10 =	sld [smem:$0x3FBA];
	_ =	sdelay $0x3  }
0x34: {  	[smem:$0x3FBA] =	sst s10  }
0x35: {  	s10 =	sld [smem:$0x3FB9];
	_ =	sdelay $0x3  }
0x36: {  	p1 =	seq.s32 s10, $0x1;
	s10 =	sld [smem:$0x3FBA];
	_ =	sdelay $0x3  }
0x37: {  	[smem:$0x3FBA] =	sst s10  }
0x38: {  	s10 =	sld [smem:$0x3FBB]  }
0x39: {  	_ = 	snop;
	(pc) =	sbr.ind lr, $3  }
0x3a: {  	_ = 	snop  }
0x3b: {  	_ = 	snop  }
0x3c: {  	p2 =	seq.s32 s10, $0x1;
	s10 =	sld [smem:$0x3FBA]  }
0x3d: {  	_ =	shalt  }
0x3e: {  	_ =	shalt  }
0x3f: {  	_ =	shalt  }
0x40: {  	_ =	shalt  }
0x41: {  	_ =	shalt  }
0x42: {  	_ =	shalt  }
0x43: {  	_ =	shalt  }
0x44: {  	_ =	shalt  }
0x45: {  	_ =	shalt  }
0x46: {  	_ =	shalt  }
0x47: {  	_ =	shalt  }
0x48: {  	_ =	shalt  }
0x49: {  	_ =	shalt  }
0x4a: {  	_ =	shalt  }
0x4b: {  	_ =	shalt  }
0x4c: {  	_ =	shalt  }
0x4d: {  	_ =	shalt  }
0x4e: {  	_ =	shalt  }
0x4f: {  	_ =	shalt  }
0x50: {  	_ =	shalt  }
0x51: {  	_ =	shalt  }
0x52: {  	_ =	shalt  }
0x53: {  	_ =	shalt  }
0x54: {  	_ =	shalt  }
0x55: {  	_ =	shalt  }
0x56: {  	_ =	shalt  }
0x57: {  	_ =	shalt  }
0x58: {  	_ =	shalt  }
0x59: {  	_ =	shalt  }
0x5a: {  	_ =	shalt  }
0x5b: {  	_ =	shalt  }
0x5c: {  	_ =	shalt  }
0x5d: {  	_ =	shalt  }
0x5e: {  	_ =	shalt  }
0x5f: {  	_ =	shalt  }
0x60: {  	_ =	shalt  }
0x61: {  	_ =	shalt  }
0x62: {  	_ =	shalt  }
0x63: {  	_ =	shalt  }
0x64: {  	_ =	shalt  }
0x65: {  	_ =	shalt  }
0x66: {  	_ =	shalt  }
0x67: {  	_ =	shalt  }
0x68: {  	_ =	shalt  }
0x69: {  	_ =	shalt  }
0x6a: {  	_ =	shalt  }
0x6b: {  	_ =	shalt  }
0x6c: {  	_ =	shalt  }
0x6d: {  	_ =	shalt  }
0x6e: {  	_ =	shalt  }
0x6f: {  	_ =	shalt  }
0x70: {  	_ =	shalt  }
0x71: {  	_ =	shalt  }
0x72: {  	_ =	shalt  }
0x73: {  	_ =	shalt  }
0x74: {  	_ =	shalt  }
0x75: {  	_ =	shalt  }
0x76: {  	_ =	shalt  }
0x77: {  	_ =	shalt  }
0x78: {  	_ =	shalt  }
0x79: {  	_ =	shalt  }
0x7a: {  	_ =	shalt  }
0x7b: {  	_ =	shalt  }
0x7c: {  	_ =	shalt  }
0x7d: {  	_ =	shalt  }
0x7e: {  	_ =	shalt  }
0x7f: {  	_ =	shalt  }
0x80: {  	_ =	shalt  }
0x81: {  	_ =	shalt  }
0x82: {  	_ =	shalt  }
0x83: {  	_ =	shalt  }
0x84: {  	_ =	shalt  }
0x85: {  	_ =	shalt  }
0x86: {  	_ =	shalt  }
0x87: {  	_ =	shalt  }
.Lfunc_end0:
.L_simem_size_0:
called_computation_lowered:
.L_overlay_start_0:
0x88: {  	s2 =	sld [smem:$0x3FD9]  }
0x89: {  	s3 =	sld [smem:$0x3FFE];
	_ =	sdelay $0x1  }
0x8a: {  	s1 =	srdreg.scid  }
0x8b: {  	s0 =	sand.u32 $0x1, s1  }
0x8c: {  	s17 =	sshll.u32 s0, $0xA;
	s2 =	sadd.s32 s3, s2  }
0x8d: {  	s2 =	sadd.s32 s2, s17  }
0x8e: {  	[smem:$0x3FC6] =	sst s2  }
0x8f: {  	_ = 	snop  }
0x90: {  	s2 =	sld [smem:$0x3FD0];
	(tm) =	ssettm $0x1  }
0x91: {  	s18 =	sld [smem:$0x3FFB];
	_ =	sdelay $0x3  }
0x92: {  	_ =	strace s18  }
0x93: {  	s3 =	sld [smem:$0x3FFC];
	_ =	sdelay $0x3  }
0x94: {  	_ =	strace s3  }
0x95: {  	s3 =	sld [smem:$0x3FFD];
	_ =	sdelay $0x3  }
0x96: {  	_ =	strace s3  }
0x97: {  	_ =	strace $0x8FFFFFFF  }
0x98: {  	s19 =	sld [smem:$0x3FDB];
	_ =	sdelay $0x1  }
0x99: {  	s4 =	simm.s32 $_scs_section_size  }
0x9a: {  	s5 =	simm.s32 $_size__tile_overlayer_lowered;
	s6 =	simm.s32 $_tile_overlayer_lowered  }
0x9b: {  	s22 =	simm.s32 $0x1BFF;
	s21 =	sshll.u32 s6, $0x1;
	s3 =	sadd.s32 s4, s19  }
0x9c: {  	s7 =	simm.s32 $0x0;
	s20 =	sshll.u32 s5, $0x1;
	s5 =	sadd.s32 s21, s3  }
0x9d: {  	[timem:s7], [sflag:s22] =	dma.local [hbm:s5], s20  }
0x9e: {  	_ =	swait.ge [sflag:s22], s20  }
0x9f: {  	s4 =	ssub.s32 $0x0, s20;
	[sflag:s22] =	ssyncset.done $0x0  }
0xa0: {  	[sflag:s22] =	ssyncadd.s32 s4;
	_ =	sdelay $0x1  }
0xa1: {  	s23 =	simm.s32 $0x1B8B  }
0xa2: {  	_ =	swait.ge [sflag:s23], $0x1  }
0xa3: {  	[sflag:s23] =	ssyncset.done $0x0  }
0xa4: {  	s25 =	simm.s32 $0x1B8E;
	s24 =	sld [smem:$0x3FFE];
	[sflag:s23] =	ssyncadd.s32 $0xFFFFFFFF  }
0xa5: {  	s26 =	simm.s32 $execute0_lowered;
	[smem:$0x3FD2] =	sst s25  }
0xa6: {  	s5 =	sshll.u32 s26, $0x1;
	_ =	strace $0x80000046;
	[dreg:$0x1] =	wrdreg $0xFFFFFFFF  }
0xa7: {  	s28 =	simm.s32 $_size_execute0_lowered;
	s3 =	sadd.s32 s3, s5;
	[dreg:$0x0] =	wrdreg $0x0  }
0xa8: {  	s5 =	sshll.u32 s28, $0x1;
	[dreg:$0x2] =	wrdreg s3  }
0xa9: {  	[dreg:$0x3] =	wrdreg s5  }
0xaa: {  	[dreg:$0x4] =	wrdreg $0xC0  }
0xab: {  	_ =	task [dreg:s7], $0x5FFFF  }
0xac: {  	[dreg:$0x1] =	wrdreg $0xFFFFFFFF  }
0xad: {  	[dreg:$0x0] =	wrdreg $0x60  }
0xae: {  	[dreg:$0x2] =	wrdreg s24  }
0xaf: {  	[dreg:$0x3] =	wrdreg s2  }
0xb0: {  	[dreg:$0x4] =	wrdreg $0x0  }
0xb1: {  	[dreg:$0x5] =	wrdreg $0x9  }
0xb2: {  	_ =	task.clear_ibuf [dreg:s7], $0x6FFFF;
	_ =	strace $0x90000046  }
0xb3: {  	s29 =	simm.s32 $0x9;
	_ =	strace $0x80000048  }
0xb4: {  	_ =	swait.ge [sflag:s29], $0x1  }
0xb5: {  	[sflag:s29] =	ssyncadd.s32 $0xFFFFFFFF  }
0xb6: {  	_ =	strace $0x90000048  }
0xb7: {  	_ =	sfence  }
0xb8: {  	s30 =	sld [smem:$0x0];
	_ =	sdelay $0x2  }
0xb9: {  	s31 =	sshll.u32 s1, $0xD;
	s1 =	sshrl.u32 s1, $0x2  }
0xba: {  	s3 =	sand.u32 $0x4000, s31;
	s1 =	sadd.s32 s1, s30  }
0xbb: {  	s0 =	sor.u32 s3, s0;
	s1 =	sshll.u32 s1, $0x11  }
0xbc: {  	s0 =	sor.u32 s1, s0  }
0xbd: {  	s0 =	sadd.s32 $0x8F2B, s0  }
0xbe: {  	[sflag:s0] =	ssyncadd.remote.s32 $0x1  }
0xbf: {  	_ =	sfence.sel $0xFFFF  }
0xc0: {  	[dreg:$0x0] =	wrdreg $0xFFFFFFFF;
	(pc) =	sbr.abs _section_cstart, $3  }
0xc1: {  	[dreg:$0x1] =	wrdreg $0xFFFFFFFF  }
0xc2: {  	_ =	task.clear_ibuf [dreg:s7], $0x2FFFF;
	_ =	strace $0x9FFFFFFF  }
0xc3: {  	(tm) =	ssettm $0x7FFFFFFF  }
tec
execute0_lowered:
.L_overlay_start_1:
0x0: {  	(tag) =	ssettag $0x1  }
0x1: {  	s2 =	rddreg [dreg:$0x0]  }
0x2: {  	s11 =	rddreg [dreg:$0x1]  }
0x3: {  	s10 =	rddreg [dreg:$0x2]  }
0x4: {  	s0 =	rddreg [dreg:$0x3];
	s1 =	simm.s32 $0x0  }
0x5: {  	s4 =	srdreg.scid;
	[smem:$0x7FF] =	sst s1  }
0x6: {  	s1 =	stileid.u32;
	s24 =	sand.u32 $0x1, s4;
	_ =	strace $0x80000047  }
0x7: {  	s3 =	sshll.u32 s1, $0xC;
	s20 =	sshll.u32 s1, $0x1;
	s21 =	sshll.u32 s1, $0xF  }
0x8: {  	s23 =	sshll.u32 s1, $0x6;
	s22 =	sshll.u32 s24, $0x12;
	s2 =	sadd.s32 s3, s2  }
0x9: {  	s9 =	sor.u32 s24, s20;
	s12 =	sadd.s32 s21, s10;
	s3 =	ssub.s32 $0x0, s3  }
0xa: {  	s4 =	sadd.s32 s22, s10;
	s2 =	sadd.s32 $0x800, s2;
	s8 =	sshll.u32 s9, $0x3  }
0xb: {  	s13 =	sshra.s32 s3, $0x2;
	s3 =	sor.u32 $0x1C02, s23;
	s7 =	sshll.u32 s9, $0xE  }
0xc: {  	s12 =	sshrl.u32 s12, $0x3;
	s23 =	sor.u32 $0x1C01, s23;
	s5 =	sor.u32 $0x1, s8  }
0xd: {  	s4 =	sadd.s32 s13, s4;
	s26 =	sor.u32 $0x2, s8;
	s29 =	sor.u32 $0x3, s8  }
0xe: {  	[spmem:s12], [sflag:s3] =	dma.local [hbm:s2], $0x1000  }
0xf: {  	s31 =	sor.u32 $0x4, s8;
	s6 =	sshll.u32 s5, $0xF;
	s14 =	sadd.s32 $0x3C00, s4  }
0x10: {  	s16 =	sshll.u32 s26, $0xF;
	s4 =	sadd.s32 s11, s7;
	s5 =	sshll.u32 s5, $0xB  }
0x11: {  	s17 =	sshll.u32 s29, $0xF;
	s19 =	sshll.u32 s31, $0xF;
	s6 =	sand.u32 $0x48000, s6  }
0x12: {  	s28 =	sand.u32 $0x50000, s16;
	s5 =	sadd.s32 s11, s5;
	s30 =	sand.u32 $0x58000, s17  }
0x13: {  	s19 =	sand.u32 $0x60000, s19;
	s16 =	sshll.u32 s29, $0xB;
	s17 =	sshll.u32 s31, $0xB  }
0x14: {  	s31 =	sshllo.u32 s9, $0x3;
	s14 =	sshrl.u32 s14, $0x3;
	s25 =	sadd.s32 s6, s10  }
0x15: {  	s7 =	sadd.s32 s28, s10;
	s6 =	sshll.u32 s26, $0xB;
	s28 =	sor.u32 $0x6, s8  }
0x16: {  	s15 =	sadd.s32 s13, s25;
	s7 =	sadd.s32 s13, s7;
	s6 =	sadd.s32 s11, s6  }
0x17: {  	s25 =	sadd.s32 s19, s10;
	s19 =	sor.u32 $0x5, s8;
	s8 =	sadd.s32 s11, s17  }
0x18: {  	s29 =	sshll.u32 s28, $0xF;
	s28 =	sshll.u32 s28, $0xB;
	s15 =	sadd.s32 $0x3C00, s15  }
0x19: {  	s18 =	sadd.s32 $0x3C00, s7;
	s7 =	sadd.s32 s30, s10;
	s21 =	sadd.s32 s13, s25  }
0x1a: {  	s22 =	sshll.u32 s19, $0xF;
	s30 =	sand.u32 $0x70000, s29;
	s19 =	sshll.u32 s19, $0xB  }
0x1b: {  	s29 =	sshll.u32 s31, $0xB;
	s7 =	sadd.s32 s13, s7;
	s21 =	sadd.s32 $0x3C00, s21  }
0x1c: {  	s26 =	sand.u32 $0x68000, s22;
	s9 =	sadd.s32 s11, s19;
	s20 =	sadd.s32 $0x3C00, s7  }
0x1d: {  	s7 =	sadd.s32 s11, s16;
	s16 =	sadd.s32 s26, s10;
	s26 =	sshll.u32 s31, $0xF  }
0x1e: {  	s15 =	sshrl.u32 s15, $0x3;
	s16 =	sadd.s32 s13, s16;
	s19 =	sand.u32 $0x78000, s26  }
0x1f: {  	s25 =	sadd.s32 $0x3C00, s16;
	s16 =	sadd.s32 s30, s10;
	s19 =	sadd.s32 s19, s10  }
0x20: {  	s22 =	simm.s32 $0x1;
	s16 =	sadd.s32 s13, s16;
	s13 =	sadd.s32 s13, s19  }
0x21: {  	s17 =	sshrl.u32 s20, $0x3;
	s30 =	sadd.s32 $0x3C00, s13;
	s13 =	simm.s32 $0x2  }
0x22: {  	s10 =	sadd.s32 s11, s28;
	s11 =	sadd.s32 s11, s29;
	_ =	swait.ge [sflag:s13], $0x1000  }
0x23: {  	s19 =	sshrl.u32 s25, $0x3;
	s26 =	sadd.s32 $0x3C00, s16;
	[sflag:s13] =	ssyncset.done $0x0  }
0x24: {  	s16 =	sshrl.u32 s18, $0x3;
	s18 =	sshrl.u32 s21, $0x3;
	[sflag:s13] =	ssyncadd.s32 $0xFFFFF000  }
0x25: {  	s20 =	sshrl.u32 s26, $0x3;
	s21 =	sshrl.u32 s30, $0x3;
	[bflag:$0x0] =	sbarrier.arrive $0xFFFF  }
0x26: {  	[hbm:s4], [sflag:s23] =	dma.local [spmem:s14], $0x800  }
0x27: {  	[hbm:s5], [sflag:s23] =	dma.local [spmem:s15], $0x800  }
0x28: {  	[hbm:s6], [sflag:s23] =	dma.local [spmem:s16], $0x800  }
0x29: {  	[hbm:s7], [sflag:s23] =	dma.local [spmem:s17], $0x800  }
0x2a: {  	[hbm:s8], [sflag:s23] =	dma.local [spmem:s18], $0x800  }
0x2b: {  	[hbm:s9], [sflag:s23] =	dma.local [spmem:s19], $0x800  }
0x2c: {  	[hbm:s10], [sflag:s23] =	dma.local [spmem:s20], $0x800  }
0x2d: {  	[hbm:s11], [sflag:s23] =	dma.local [spmem:s21], $0x800  }
0x2e: {  	_ =	swait.ge [sflag:s22], $0x800  }
0x2f: {  	[sflag:s22] =	ssyncset.done $0x0  }
0x30: {  	[sflag:s22] =	ssyncadd.s32 $0xFFFFF800  }
0x31: {  	_ =	swait.ge [sflag:s22], $0x800  }
0x32: {  	[sflag:s22] =	ssyncset.done $0x0  }
0x33: {  	[sflag:s22] =	ssyncadd.s32 $0xFFFFF800  }
0x34: {  	_ =	swait.ge [sflag:s22], $0x800  }
0x35: {  	[sflag:s22] =	ssyncset.done $0x0  }
0x36: {  	[sflag:s22] =	ssyncadd.s32 $0xFFFFF800  }
0x37: {  	_ =	swait.ge [sflag:s22], $0x800  }
0x38: {  	[sflag:s22] =	ssyncset.done $0x0  }
0x39: {  	[sflag:s22] =	ssyncadd.s32 $0xFFFFF800  }
0x3a: {  	_ =	swait.ge [sflag:s22], $0x800  }
0x3b: {  	s24 =	ssub.s32 $0x2, s24;
	[sflag:s22] =	ssyncset.done $0x0  }
0x3c: {  	s31 =	sshrl.u32 s24, $0x1;
	[sflag:s22] =	ssyncadd.s32 $0xFFFFF800  }
0x3d: {  	s24 =	ssub.s32 s24, s31;
	_ =	swait.ge [sflag:s22], $0x800  }
0x3e: {  	s24 =	smax.u32 s24, $0x1;
	[sflag:s22] =	ssyncset.done $0x0  }
0x3f: {  	p0 =	sne.s32 s24, $0x1;
	[sflag:s22] =	ssyncadd.s32 $0xFFFFF800  }
.Ltmp0:
0x40: {  	_ =	swait.ge [sflag:s22], $0x800;
	(pc) =	sbr.rel @!p0 .LBB2_2-.Ltmp0, $4  }
0x41: {  	[sflag:s22] =	ssyncset.done $0x0  }
0x42: {  	[sflag:s22] =	ssyncadd.s32 $0xFFFFF800  }
0x43: {  	_ =	swait.ge [sflag:s22], $0x800  }
0x44: {  	s24 =	sadd.s32 $0xFFFFFFFF, s24;
	[sflag:s22] =	ssyncset.done $0x0  }
.LBB2_1:
0x45: {  	p0 =	sne.s32 s24, $0x1;
	s24 =	sadd.s32 $0xFFFFFFFF, s24;
	[sflag:s22] =	ssyncadd.s32 $0xFFFFF800  }
0x46: {  	[spmem:s12], [sflag:s3] =	dma.local [hbm:s2], $0x1000  }
0x47: {  	_ =	swait.ge [sflag:s13], $0x1000  }
0x48: {  	[sflag:s13] =	ssyncset.done $0x0  }
0x49: {  	[sflag:s13] =	ssyncadd.s32 $0xFFFFF000  }
0x4a: {  	[bflag:$0x0] =	sbarrier.arrive $0xFFFF  }
0x4b: {  	[hbm:s4], [sflag:s23] =	dma.local [spmem:s14], $0x800  }
0x4c: {  	[hbm:s5], [sflag:s23] =	dma.local [spmem:s15], $0x800  }
0x4d: {  	[hbm:s6], [sflag:s23] =	dma.local [spmem:s16], $0x800  }
0x4e: {  	[hbm:s7], [sflag:s23] =	dma.local [spmem:s17], $0x800  }
0x4f: {  	[hbm:s8], [sflag:s23] =	dma.local [spmem:s18], $0x800  }
0x50: {  	[hbm:s9], [sflag:s23] =	dma.local [spmem:s19], $0x800  }
0x51: {  	[hbm:s10], [sflag:s23] =	dma.local [spmem:s20], $0x800  }
0x52: {  	[hbm:s11], [sflag:s23] =	dma.local [spmem:s21], $0x800  }
0x53: {  	_ =	swait.ge [sflag:s22], $0x800  }
0x54: {  	[sflag:s22] =	ssyncset.done $0x0  }
0x55: {  	[sflag:s22] =	ssyncadd.s32 $0xFFFFF800  }
0x56: {  	_ =	swait.ge [sflag:s22], $0x800  }
0x57: {  	[sflag:s22] =	ssyncset.done $0x0  }
0x58: {  	[sflag:s22] =	ssyncadd.s32 $0xFFFFF800  }
0x59: {  	_ =	swait.ge [sflag:s22], $0x800  }
0x5a: {  	[sflag:s22] =	ssyncset.done $0x0  }
0x5b: {  	[sflag:s22] =	ssyncadd.s32 $0xFFFFF800  }
0x5c: {  	_ =	swait.ge [sflag:s22], $0x800  }
0x5d: {  	[sflag:s22] =	ssyncset.done $0x0  }
0x5e: {  	[sflag:s22] =	ssyncadd.s32 $0xFFFFF800  }
0x5f: {  	_ =	swait.ge [sflag:s22], $0x800  }
0x60: {  	[sflag:s22] =	ssyncset.done $0x0  }
0x61: {  	[sflag:s22] =	ssyncadd.s32 $0xFFFFF800  }
0x62: {  	_ =	swait.ge [sflag:s22], $0x800  }
0x63: {  	[sflag:s22] =	ssyncset.done $0x0  }
0x64: {  	[sflag:s22] =	ssyncadd.s32 $0xFFFFF800  }
.Ltmp1:
0x65: {  	_ =	swait.ge [sflag:s22], $0x800;
	(pc) =	sbr.rel @p0 .LBB2_1-.Ltmp1, $4  }
0x66: {  	[sflag:s22] =	ssyncset.done $0x0  }
0x67: {  	[sflag:s22] =	ssyncadd.s32 $0xFFFFF800  }
0x68: {  	_ =	swait.ge [sflag:s22], $0x800  }
0x69: {  	[sflag:s22] =	ssyncset.done $0x0  }
.LBB2_2:
0x6a: {  	[sflag:s22] =	ssyncadd.s32 $0xFFFFF800  }
0x6b: {  	_ =	sfence.sel $0x180000  }
0x6c: {  	[bflag:$0x0] =	sbarrier.arrive $0xFFFF  }
0x6d: {  	p0 =	sne.s32 s1, $0x0;
	_ =	strace $0x90000047  }
0x6e: {  	s0 =	sadd.s32 @!p0 $0x100000, s0;
	[bflag:$0x2] =	sbarrier.arrive $0xFFFF  }
0x6f: {  	[sflag:s0] =	ssyncadd.tile.s32 @!p0 $0x1;
	_ =	shalt  }
.Lfunc_end2:
_tile_overlayer_lowered:
.L_overlay_start_2:
0x70: {  	(tag) =	ssettag $0x2  }
0x71: {  	s0 =	rddreg [dreg:$0x0];
	s2 =	stileid.u32  }
0x72: {  	s1 =	rddreg [dreg:$0x1];
	p0 =	sne.s32 s2, $0x0  }
0x73: {  	s3 =	rddreg [dreg:$0x2];
	[bflag:$0x3] =	sbarrier.arrive $0xFFFF;
	s2 =	simm.s32 @!p0 $0x1C02  }
0x74: {  	[timem:s3], [sflag:s2] =	dma.local @!p0 [hbm:s0], s1  }
0x75: {  	s0 =	simm.s32 @!p0 $0x2  }
0x76: {  	_ =	swait.ge @!p0 [sflag:s0], s1  }
0x77: {  	s1 =	ssub.s32 @!p0 $0x0, s1;
	[sflag:s0] =	ssyncset.done @!p0 $0x0  }
0x78: {  	[sflag:s0] =	ssyncadd.s32 @!p0 s1  }
0x79: {  	[bflag:$0x3] =	sbarrier.arrive $0xFFFF  }
0x7a: {  	_ =	shalt  }

</sc_bundles>
